<compile_context>
chip_gen: v7x
topology: tpu7x:2x2x1
jax: 0.10.2.dev20260603
libtpu: 0.0.44.dev20260713+nightly
codegen_flags: <defaults>
</compile_context>

<pallas_src>
import functools

import jax
import jax.numpy as jnp
from jax import lax
from jax.experimental import pallas as pl
from jax.experimental.pallas import tpu as pltpu
from jax.experimental.pallas import tpu_sc as plsc

N = 10000
E = 320000
F_IN = 128
H = 64
C = 40
C_PAD = 48

NC = 2
NS = 16
NW = NC * NS
N_PAD = 10240
RPT = N_PAD // NS
EPW = E // NW
CHUNK = 80
NCHUNK = EPW // CHUNK

_MESH = dict(core_axis_name="c", subcore_axis_name="s",
             num_cores=NC, num_subcores=NS)


def _worker_id():
    return lax.axis_index("s") * NC + lax.axis_index("c")


def _sc_degree(dst3, zeros_rows):
    mesh = plsc.VectorSubcoreMesh(**_MESH)

    @functools.partial(
        pl.kernel,
        out_type=(jax.ShapeDtypeStruct((N_PAD,), jnp.float32),
                  jax.ShapeDtypeStruct((N_PAD,), jnp.float32)),
        mesh=mesh,
        scratch_types=[
            pltpu.VMEM((NCHUNK, CHUNK), jnp.int32),
            pltpu.VMEM((CHUNK,), jnp.float32),
            pltpu.VMEM_SHARED((N_PAD,), jnp.float32),
            pltpu.SemaphoreType.DMA,
        ],
    )
    def k(dst_hbm, z_hbm, out0, out1, eidx, ones_v, acc, sem):
        cid = lax.axis_index("c")
        sid = lax.axis_index("s")
        wid = _worker_id()
        for i in range(CHUNK // 16):
            ones_v[pl.ds(16 * i, 16)] = jnp.full((16,), 1.0, jnp.float32)
        pltpu.sync_copy(dst_hbm.at[wid], eidx)
        pltpu.sync_copy(z_hbm.at[sid], acc.at[pl.ds(sid * RPT, RPT)])
        plsc.subcore_barrier()

        LAG = 8

        def body(ci, carry):
            pltpu.async_copy(ones_v, acc.at[eidx.at[ci]], sem, add=True)

            @pl.when(ci >= LAG)
            def _():
                pltpu.make_async_copy(ones_v, acc.at[eidx.at[ci - LAG]],
                                      sem).wait()

            return carry

        lax.fori_loop(0, NCHUNK, body, 0)

        def drain(ci, carry):
            pltpu.make_async_copy(ones_v, acc.at[eidx.at[ci]], sem).wait()
            return carry

        lax.fori_loop(NCHUNK - LAG, NCHUNK, drain, 0)
        plsc.subcore_barrier()
        sl = pl.ds(sid * RPT, RPT)

        @pl.when(cid == 0)
        def _():
            pltpu.sync_copy(acc.at[sl], out0.at[sl])

        @pl.when(cid == 1)
        def _():
            pltpu.sync_copy(acc.at[sl], out1.at[sl])

    return k(dst3, zeros_rows)


def _sc_scatter_rows(g, src3, dst3, zeros_rows, d):
    mesh = plsc.VectorSubcoreMesh(**_MESH)

    @functools.partial(
        pl.kernel,
        out_type=(jax.ShapeDtypeStruct((N_PAD, d), jnp.float32),
                  jax.ShapeDtypeStruct((N_PAD, d), jnp.float32)),
        mesh=mesh,
        scratch_types=[
            pltpu.VMEM((NCHUNK, CHUNK), jnp.int32),
            pltpu.VMEM((NCHUNK, CHUNK), jnp.int32),
        ] + [pltpu.VMEM((CHUNK, d), jnp.float32)] * 4 + [
            pltpu.VMEM_SHARED((N_PAD, d), jnp.float32),
        ] + [pltpu.SemaphoreType.DMA] * 4,
        compiler_params=pltpu.CompilerParams(use_tc_tiling_on_sc=False),
    )
    def k(g_hbm, src_hbm, dst_hbm, z_hbm, out0, out1,
          sidx, didx, r0, r1, r2, r3, acc, s0, s1, s2, s3):
        cid = lax.axis_index("c")
        sid = lax.axis_index("s")
        wid = _worker_id()
        bufs = (r0, r1, r2, r3)
        sems = (s0, s1, s2, s3)
        pltpu.sync_copy(src_hbm.at[wid], sidx)
        pltpu.sync_copy(dst_hbm.at[wid], didx)
        pltpu.sync_copy(z_hbm.at[sid], acc.at[pl.ds(sid * RPT, RPT)])
        plsc.subcore_barrier()

        def gs(ci, b):
            pltpu.async_copy(g_hbm.at[sidx.at[ci]], bufs[b], sems[b])

        def gw(ci, b):
            pltpu.make_async_copy(g_hbm.at[sidx.at[ci]], bufs[b],
                                  sems[b]).wait()

        def ss(ci, b):
            pltpu.async_copy(bufs[b], acc.at[didx.at[ci]], sems[b], add=True)

        def sw(ci, b):
            pltpu.make_async_copy(bufs[b], acc.at[didx.at[ci]],
                                  sems[b]).wait()

        gs(0, 0)
        gs(1, 1)
        gs(2, 2)
        gw(0, 0)
        ss(0, 0)
        gs(3, 3)
        gw(1, 1)
        ss(1, 1)

        def step(c, b):
            sw(c - 2, (b + 2) % 4)
            gs(c + 2, (b + 2) % 4)
            gw(c, b)
            ss(c, b)

        def body(i, carry):
            base = 4 * i + 2
            for j in range(4):
                step(base + j, (2 + j) % 4)
            return carry

        lax.fori_loop(0, 30, body, 0)
        step(122, 2)
        sw(121, 1)
        gw(123, 3)
        ss(123, 3)
        gw(124, 0)
        ss(124, 0)
        sw(122, 2)
        sw(123, 3)
        sw(124, 0)
        plsc.subcore_barrier()
        sl = pl.ds(sid * RPT, RPT)

        @pl.when(cid == 0)
        def _():
            pltpu.sync_copy(acc.at[sl], out0.at[sl])

        @pl.when(cid == 1)
        def _():
            pltpu.sync_copy(acc.at[sl], out1.at[sl])

    return k(g, src3, dst3, zeros_rows)


BM = 5000


def _dis_from(d0, d1):
    return lax.rsqrt(d0 + d1 + 1.0)


def _tc_g1(x, w1, d0, d1):

    def body(x_ref, w_ref, d0_ref, d1_ref, o_ref):
        dis = _dis_from(d0_ref[...], d1_ref[...])
        h = jnp.dot(x_ref[...], w_ref[...], preferred_element_type=jnp.float32)
        o_ref[...] = h * dis

    return pl.pallas_call(
        body,
        grid=(N // BM,),
        in_specs=[
            pl.BlockSpec((BM, F_IN), lambda i: (i, 0)),
            pl.BlockSpec((F_IN, H), lambda i: (0, 0)),
            pl.BlockSpec((BM, 1), lambda i: (i, 0)),
            pl.BlockSpec((BM, 1), lambda i: (i, 0)),
        ],
        out_specs=pl.BlockSpec((BM, H), lambda i: (i, 0)),
        out_shape=jax.ShapeDtypeStruct((N, H), jnp.float32),
    )(x, w1, d0, d1)


def _tc_g2(g1, p0, p1, d0, d1, b1, w2p):

    def body(g_ref, p0_ref, p1_ref, d0_ref, d1_ref, b_ref, w_ref, o_ref):
        dis = _dis_from(d0_ref[...], d1_ref[...])
        z = dis * (p0_ref[...] + p1_ref[...] + g_ref[...]) + b_ref[...]
        z = jnp.maximum(z, 0.0)
        o_ref[...] = jnp.dot(z, w_ref[...], preferred_element_type=jnp.float32) * dis

    return pl.pallas_call(
        body,
        grid=(N // BM,),
        in_specs=[
            pl.BlockSpec((BM, H), lambda i: (i, 0)),
            pl.BlockSpec((BM, H), lambda i: (i, 0)),
            pl.BlockSpec((BM, H), lambda i: (i, 0)),
            pl.BlockSpec((BM, 1), lambda i: (i, 0)),
            pl.BlockSpec((BM, 1), lambda i: (i, 0)),
            pl.BlockSpec((1, H), lambda i: (0, 0)),
            pl.BlockSpec((H, C_PAD), lambda i: (0, 0)),
        ],
        out_specs=pl.BlockSpec((BM, C_PAD), lambda i: (i, 0)),
        out_shape=jax.ShapeDtypeStruct((N, C_PAD), jnp.float32),
    )(g1, p0, p1, d0, d1, b1, w2p)


def _tc_out(g2, q0, q1, d0, d1, b2p):

    def body(g_ref, q0_ref, q1_ref, d0_ref, d1_ref, b_ref, o_ref):
        dis = _dis_from(d0_ref[...], d1_ref[...])
        res = dis * (q0_ref[...] + q1_ref[...] + g_ref[...]) + b_ref[...]
        o_ref[...] = res[:, :C]

    return pl.pallas_call(
        body,
        grid=(N // BM,),
        in_specs=[
            pl.BlockSpec((BM, C_PAD), lambda i: (i, 0)),
            pl.BlockSpec((BM, C_PAD), lambda i: (i, 0)),
            pl.BlockSpec((BM, C_PAD), lambda i: (i, 0)),
            pl.BlockSpec((BM, 1), lambda i: (i, 0)),
            pl.BlockSpec((BM, 1), lambda i: (i, 0)),
            pl.BlockSpec((1, C_PAD), lambda i: (0, 0)),
        ],
        out_specs=pl.BlockSpec((BM, C), lambda i: (i, 0)),
        out_shape=jax.ShapeDtypeStruct((N, C), jnp.float32),
    )(g2, q0, q1, d0, d1, b2p)


def kernel(x, edge_index, W1, b1, W2, b2):
    src3 = edge_index[0].reshape(NW, NCHUNK, CHUNK)
    dst3 = edge_index[1].reshape(NW, NCHUNK, CHUNK)
    w2p = jnp.pad(W2, ((0, 0), (0, C_PAD - C)))
    b1r = b1.reshape(1, H)
    b2p = jnp.pad(b2, (0, C_PAD - C)).reshape(1, C_PAD)
    z1 = jnp.zeros((NS, RPT), jnp.float32)
    zh = jnp.zeros((NS, RPT, H), jnp.float32)
    zc = jnp.zeros((NS, RPT, C_PAD), jnp.float32)

    dg0, dg1 = _sc_degree(dst3, z1)
    d0 = dg0.reshape(N_PAD, 1)
    d1 = dg1.reshape(N_PAD, 1)

    g1 = _tc_g1(x, W1, d0, d1)
    p0, p1 = _sc_scatter_rows(g1, src3, dst3, zh, H)
    g2 = _tc_g2(g1, p0, p1, d0, d1, b1r, w2p)
    q0, q1 = _sc_scatter_rows(g2, src3, dst3, zc, C_PAD)
    out = _tc_out(g2, q0, q1, d0, d1, b2p)
    return out

# --- scband reference (transcript-rebuilt; emitter-appended) ---
"""Pipeline reference for scband-gcn-352187318673 (READ-ONLY COPY).

The authoritative reference and input builder live on the scoring server;
editing this copy changes nothing except your own understanding.
"""

import jax, jax.numpy as jnp
import numpy as np

N = 10000
E = 320000
F_IN = 128
H = 64
C = 40


def setup_inputs(seed: int = 0) -> dict:
    key = jax.random.key(seed)
    k1, k2, k3, k4, k5, k6 = jax.random.split(key, 6)
    x = jax.random.normal(k1, (N, F_IN), dtype=jnp.float32)
    edge_index = jax.random.randint(k2, (2, E), 0, N, dtype=jnp.int32)
    W1 = jax.random.normal(k3, (F_IN, H), dtype=jnp.float32) * (1.0 / np.sqrt(F_IN))
    b1 = jnp.zeros((H,), dtype=jnp.float32)
    W2 = jax.random.normal(k4, (H, C), dtype=jnp.float32) * (1.0 / np.sqrt(H))
    b2 = jnp.zeros((C,), dtype=jnp.float32)
    return {"x": x, "edge_index": edge_index, "W1": W1, "b1": b1, "W2": W2, "b2": b2}


def _gcn_conv(x, edge_index, W, b):
    # GCNConv: x' = D^{-1/2} (A + I) D^{-1/2} X W + b  (PyG default: add_self_loops=True, normalize=True)
    h = x @ W
    src = edge_index[0]
    dst = edge_index[1]
    loop = jnp.arange(N, dtype=src.dtype)
    src = jnp.concatenate([src, loop])
    dst = jnp.concatenate([dst, loop])
    deg = jnp.zeros((N,), dtype=jnp.float32).at[dst].add(1.0)
    deg_inv_sqrt = jnp.where(deg > 0, jax.lax.rsqrt(jnp.maximum(deg, 1e-12)), 0.0)
    norm = deg_inv_sqrt[src] * deg_inv_sqrt[dst]
    msg = h[src] * norm[:, None]
    out = jnp.zeros((N, h.shape[1]), dtype=jnp.float32).at[dst].add(msg)
    return out + b


def reference(x, edge_index, W1, b1, W2, b2):
    h = _gcn_conv(x, edge_index, W1, b1)
    h = jax.nn.relu(h)
    # dropout p=0.5 is identity in eval mode (training=False)
    out = _gcn_conv(h, edge_index, W2, b2)
    return out

if __name__ == "__main__":
    import jax
    _d = setup_inputs()
    print(jax.jit(kernel)(*tuple(_d.values())))

</pallas_src>

<mosaic_0001>
#map = affine_map<(d0, d1) -> (0, 0, 0)>
#map1 = affine_map<(d0, d1) -> (0, 0)>
#map2 = affine_map<(d0, d1) -> (0)>
module attributes {stable_mosaic.version = 14 : i64} {
  func.func @k(%arg0: i32, %arg1: i32, %arg2: memref<32x125x80xi32, #tpu.memory_space<hbm>>, %arg3: memref<16x640xf32, #tpu.memory_space<hbm>>, %arg4: memref<10240xf32, #tpu.memory_space<hbm>>, %arg5: memref<10240xf32, #tpu.memory_space<hbm>>, %arg6: memref<125x80xi32, #tpu.memory_space<vmem>>, %arg7: memref<80xf32, #tpu.memory_space<vmem>>, %arg8: memref<10240xf32, #tpu.memory_space<vmem_shared>>, %arg9: memref<!tpu.dma_semaphore, #tpu.memory_space<semaphore_mem>>) attributes {dimension_semantics = [#tpu.dimension_semantics<core_parallel>, #tpu.dimension_semantics<subcore_parallel>], iteration_bounds = array<i64: 2, 16>, scalar_prefetch = 0 : i64, scratch_operands = 4 : i64, tpu.core_type = #tpu.core_type<sc_vector_subcore>, window_params = [{transform_indices = #map}, {transform_indices = #map1}, {transform_indices = #map2}, {transform_indices = #map2}]} {
    %mul3A = arith.constant 2 : i32
    %mul3A_0 = arith.muli %arg1, %mul3A : i32
    %add3A = arith.addi %mul3A_0, %arg0 : i32
    %broadcast_in_dim3A = arith.constant 1.000000e+00 : f32
    %broadcast_in_dim3A_1 = vector.broadcast %broadcast_in_dim3A : f32 to vector<16xf32>
    %swap3A = arith.constant 0 : index
    %swap3A_2 = tpu.vector_load %arg7[%swap3A] {strides = array<i32>} : memref<80xf32, #tpu.memory_space<vmem>>, vector<16xf32>,
    %swap3A_3 = vector.shape_cast %swap3A_2 : vector<16xf32> to vector<16xf32>
    %swap3A_4 = vector.shape_cast %broadcast_in_dim3A_1 : vector<16xf32> to vector<16xf32>
    tpu.vector_store %arg7[%swap3A], %swap3A_4 {strides = array<i32>} : memref<80xf32, #tpu.memory_space<vmem>>, vector<16xf32>,
    %broadcast_in_dim3A_5 = arith.constant 1.000000e+00 : f32
    %broadcast_in_dim3A_6 = vector.broadcast %broadcast_in_dim3A_5 : f32 to vector<16xf32>
    %swap3A_7 = arith.constant 16 : index
    %swap3A_8 = tpu.vector_load %arg7[%swap3A_7] {strides = array<i32>} : memref<80xf32, #tpu.memory_space<vmem>>, vector<16xf32>,
    %swap3A_9 = vector.shape_cast %swap3A_8 : vector<16xf32> to vector<16xf32>
    %swap3A_10 = vector.shape_cast %broadcast_in_dim3A_6 : vector<16xf32> to vector<16xf32>
    tpu.vector_store %arg7[%swap3A_7], %swap3A_10 {strides = array<i32>} : memref<80xf32, #tpu.memory_space<vmem>>, vector<16xf32>,
    %broadcast_in_dim3A_11 = arith.constant 1.000000e+00 : f32
    %broadcast_in_dim3A_12 = vector.broadcast %broadcast_in_dim3A_11 : f32 to vector<16xf32>
    %swap3A_13 = arith.constant 32 : index
    %swap3A_14 = tpu.vector_load %arg7[%swap3A_13] {strides = array<i32>} : memref<80xf32, #tpu.memory_space<vmem>>, vector<16xf32>,
    %swap3A_15 = vector.shape_cast %swap3A_14 : vector<16xf32> to vector<16xf32>
    %swap3A_16 = vector.shape_cast %broadcast_in_dim3A_12 : vector<16xf32> to vector<16xf32>
    tpu.vector_store %arg7[%swap3A_13], %swap3A_16 {strides = array<i32>} : memref<80xf32, #tpu.memory_space<vmem>>, vector<16xf32>,
    %broadcast_in_dim3A_17 = arith.constant 1.000000e+00 : f32
    %broadcast_in_dim3A_18 = vector.broadcast %broadcast_in_dim3A_17 : f32 to vector<16xf32>
    %swap3A_19 = arith.constant 48 : index
    %swap3A_20 = tpu.vector_load %arg7[%swap3A_19] {strides = array<i32>} : memref<80xf32, #tpu.memory_space<vmem>>, vector<16xf32>,
    %swap3A_21 = vector.shape_cast %swap3A_20 : vector<16xf32> to vector<16xf32>
    %swap3A_22 = vector.shape_cast %broadcast_in_dim3A_18 : vector<16xf32> to vector<16xf32>
    tpu.vector_store %arg7[%swap3A_19], %swap3A_22 {strides = array<i32>} : memref<80xf32, #tpu.memory_space<vmem>>, vector<16xf32>,
    %broadcast_in_dim3A_23 = arith.constant 1.000000e+00 : f32
    %broadcast_in_dim3A_24 = vector.broadcast %broadcast_in_dim3A_23 : f32 to vector<16xf32>
    %swap3A_25 = arith.constant 64 : index
    %swap3A_26 = tpu.vector_load %arg7[%swap3A_25] {strides = array<i32>} : memref<80xf32, #tpu.memory_space<vmem>>, vector<16xf32>,
    %swap3A_27 = vector.shape_cast %swap3A_26 : vector<16xf32> to vector<16xf32>
    %swap3A_28 = vector.shape_cast %broadcast_in_dim3A_24 : vector<16xf32> to vector<16xf32>
    tpu.vector_store %arg7[%swap3A_25], %swap3A_28 {strides = array<i32>} : memref<80xf32, #tpu.memory_space<vmem>>, vector<16xf32>,
    "tpu.region"() ({
      %run_scoped3A = tpu.sem_alloc : memref<!tpu.dma_semaphore, #tpu.memory_space<semaphore_mem>>
      %dma_start3A = arith.constant 0 : i32
      %dma_start3A_52 = arith.constant 0 : i32
      %dma_start3A_53 = tpu.memref_slice %arg2[%add3A, %dma_start3A, %dma_start3A_52] : memref<32x125x80xi32, #tpu.memory_space<hbm>> -> memref<1x125x80xi32, #tpu.memory_space<hbm>>
      %dma_start3A_54 = tpu.memref_squeeze %dma_start3A_53 : memref<1x125x80xi32, #tpu.memory_space<hbm>> -> memref<125x80xi32, #tpu.memory_space<hbm>>
      %dma_start3A_55 = arith.constant 0 : i32
      %dma_start3A_56 = arith.constant 0 : i32
      %dma_start3A_57 = tpu.memref_slice %arg2[%add3A, %dma_start3A_55, %dma_start3A_56] : memref<32x125x80xi32, #tpu.memory_space<hbm>> -> memref<1x125x80xi32, #tpu.memory_space<hbm>>
      %dma_start3A_58 = tpu.memref_squeeze %dma_start3A_57 : memref<1x125x80xi32, #tpu.memory_space<hbm>> -> memref<125x80xi32, #tpu.memory_space<hbm>>
      tpu.enqueue_dma source(%dma_start3A_58 : memref<125x80xi32, #tpu.memory_space<hbm>>) target(%arg6 : memref<125x80xi32, #tpu.memory_space<vmem>>) target_semaphore(%run_scoped3A : memref<!tpu.dma_semaphore, #tpu.memory_space<semaphore_mem>>)
      %dma_wait3A = arith.constant 0 : i32
      %dma_wait3A_59 = arith.constant 0 : i32
      %dma_wait3A_60 = tpu.memref_slice %arg2[%add3A, %dma_wait3A, %dma_wait3A_59] : memref<32x125x80xi32, #tpu.memory_space<hbm>> -> memref<1x125x80xi32, #tpu.memory_space<hbm>>
      %dma_wait3A_61 = tpu.memref_squeeze %dma_wait3A_60 : memref<1x125x80xi32, #tpu.memory_space<hbm>> -> memref<125x80xi32, #tpu.memory_space<hbm>>
      %dma_wait3A_62 = arith.constant 0 : i32
      %dma_wait3A_63 = arith.constant 0 : i32
      %dma_wait3A_64 = tpu.memref_slice %arg2[%add3A, %dma_wait3A_62, %dma_wait3A_63] : memref<32x125x80xi32, #tpu.memory_space<hbm>> -> memref<1x125x80xi32, #tpu.memory_space<hbm>>
      %dma_wait3A_65 = tpu.memref_squeeze %dma_wait3A_64 : memref<1x125x80xi32, #tpu.memory_space<hbm>> -> memref<125x80xi32, #tpu.memory_space<hbm>>
      tpu.wait_dma2 semaphore(%run_scoped3A : memref<!tpu.dma_semaphore, #tpu.memory_space<semaphore_mem>>) src(%dma_wait3A_65 : memref<125x80xi32, #tpu.memory_space<hbm>>) dst(%arg6 : memref<125x80xi32, #tpu.memory_space<vmem>>)
      tpu.yield
    }) : () -> ()
    %mul3A_29 = arith.constant 640 : i32
    %mul3A_30 = arith.muli %arg1, %mul3A_29 : i32
    "tpu.region"() ({
      %run_scoped3A = tpu.sem_alloc : memref<!tpu.dma_semaphore, #tpu.memory_space<semaphore_mem>>
      %dma_start3A = tpu.memref_slice %arg8[%mul3A_30] : memref<10240xf32, #tpu.memory_space<vmem_shared>> -> memref<640xf32, #tpu.memory_space<vmem_shared>>
      %dma_start3A_52 = arith.constant 0 : i32
      %dma_start3A_53 = tpu.memref_slice %arg3[%arg1, %dma_start3A_52] : memref<16x640xf32, #tpu.memory_space<hbm>> -> memref<1x640xf32, #tpu.memory_space<hbm>>
      %dma_start3A_54 = tpu.memref_squeeze %dma_start3A_53 : memref<1x640xf32, #tpu.memory_space<hbm>> -> memref<640xf32, #tpu.memory_space<hbm>>
      tpu.enqueue_dma source(%dma_start3A_54 : memref<640xf32, #tpu.memory_space<hbm>>) target(%dma_start3A : memref<640xf32, #tpu.memory_space<vmem_shared>>) target_semaphore(%run_scoped3A : memref<!tpu.dma_semaphore, #tpu.memory_space<semaphore_mem>>)
      %dma_wait3A = tpu.memref_slice %arg8[%mul3A_30] : memref<10240xf32, #tpu.memory_space<vmem_shared>> -> memref<640xf32, #tpu.memory_space<vmem_shared>>
      %dma_wait3A_55 = arith.constant 0 : i32
      %dma_wait3A_56 = tpu.memref_slice %arg3[%arg1, %dma_wait3A_55] : memref<16x640xf32, #tpu.memory_space<hbm>> -> memref<1x640xf32, #tpu.memory_space<hbm>>
      %dma_wait3A_57 = tpu.memref_squeeze %dma_wait3A_56 : memref<1x640xf32, #tpu.memory_space<hbm>> -> memref<640xf32, #tpu.memory_space<hbm>>
      tpu.wait_dma2 semaphore(%run_scoped3A : memref<!tpu.dma_semaphore, #tpu.memory_space<semaphore_mem>>) src(%dma_wait3A_57 : memref<640xf32, #tpu.memory_space<hbm>>) dst(%dma_wait3A : memref<640xf32, #tpu.memory_space<vmem_shared>>)
      tpu.yield
    }) : () -> ()
    %barrier3A = arith.constant 0 : index
    tpu.barrier barrier_id(%barrier3A)
    %scan3A = arith.constant 0 : i32
    %scan3A_31 = arith.constant 0 : i32
    %scan3A_32 = arith.constant 125 : i32
    %scan3A_33 = arith.addi %scan3A_31, %scan3A_32 : i32
    %scan3A_34 = arith.constant 1 : i32
    scf.for %scan3A_52 = %scan3A_31 to %scan3A_33 step %scan3A_34  : i32 {
      %dma_start3A = arith.constant 0 : i32
      %dma_start3A_53 = tpu.memref_slice %arg6[%scan3A_52, %dma_start3A] : memref<125x80xi32, #tpu.memory_space<vmem>> -> memref<1x80xi32, #tpu.memory_space<vmem>>
      %dma_start3A_54 = tpu.memref_squeeze %dma_start3A_53 : memref<1x80xi32, #tpu.memory_space<vmem>> -> memref<80xi32, #tpu.memory_space<vmem>>
      %dma_start3A_55 = arith.constant 0 : i32
      %dma_start3A_56 = tpu.memref_slice %arg8[%dma_start3A_55] : memref<10240xf32, #tpu.memory_space<vmem_shared>> -> memref<10240xf32, #tpu.memory_space<vmem_shared>>
      tpu.enqueue_indirect_dma source(%arg7 : memref<80xf32, #tpu.memory_space<vmem>>) target(%dma_start3A_56 : memref<10240xf32, #tpu.memory_space<vmem_shared>>) offsets(%dma_start3A_54 : memref<80xi32, #tpu.memory_space<vmem>>) semaphore(%arg9 : memref<!tpu.dma_semaphore, #tpu.memory_space<semaphore_mem>>) {add = true}
      %ge3A = arith.constant 8 : i32
      %ge3A_57 = arith.cmpi sge, %scan3A_52, %ge3A : i32
      %convert_element_type3A_58 = arith.extui %ge3A_57 : i1 to i32
      %cond3A_59 = arith.constant 0 : i32
      %cond3A_60 = arith.cmpi ne, %convert_element_type3A_58, %cond3A_59 : i32
      scf.if %cond3A_60 {
        %sub3A = arith.constant 8 : i32
        %sub3A_61 = arith.subi %scan3A_52, %sub3A : i32
        %dma_wait3A = arith.constant 0 : i32
        %dma_wait3A_62 = tpu.memref_slice %arg6[%sub3A_61, %dma_wait3A] : memref<125x80xi32, #tpu.memory_space<vmem>> -> memref<1x80xi32, #tpu.memory_space<vmem>>
        %dma_wait3A_63 = tpu.memref_squeeze %dma_wait3A_62 : memref<1x80xi32, #tpu.memory_space<vmem>> -> memref<80xi32, #tpu.memory_space<vmem>>
        %dma_wait3A_64 = arith.constant 0 : i32
        %dma_wait3A_65 = tpu.memref_slice %arg8[%dma_wait3A_64] : memref<10240xf32, #tpu.memory_space<vmem_shared>> -> memref<10240xf32, #tpu.memory_space<vmem_shared>>
        tpu.wait_indirect_dma semaphore(%arg9 : memref<!tpu.dma_semaphore, #tpu.memory_space<semaphore_mem>>) src(%arg7 : memref<80xf32, #tpu.memory_space<vmem>>) dst(%dma_wait3A_65 : memref<10240xf32, #tpu.memory_space<vmem_shared>>)
      } else {
      }
    }
    %scan3A_35 = arith.constant 125 : i32
    %scan3A_36 = arith.constant 0 : i32
    %scan3A_37 = arith.constant 117 : i32
    %scan3A_38 = arith.constant 8 : i32
    %scan3A_39 = arith.addi %scan3A_37, %scan3A_38 : i32
    %scan3A_40 = arith.constant 1 : i32
    scf.for %scan3A_52 = %scan3A_37 to %scan3A_39 step %scan3A_40  : i32 {
      %dma_wait3A = arith.constant 0 : i32
      %dma_wait3A_53 = tpu.memref_slice %arg6[%scan3A_52, %dma_wait3A] : memref<125x80xi32, #tpu.memory_space<vmem>> -> memref<1x80xi32, #tpu.memory_space<vmem>>
      %dma_wait3A_54 = tpu.memref_squeeze %dma_wait3A_53 : memref<1x80xi32, #tpu.memory_space<vmem>> -> memref<80xi32, #tpu.memory_space<vmem>>
      %dma_wait3A_55 = arith.constant 0 : i32
      %dma_wait3A_56 = tpu.memref_slice %arg8[%dma_wait3A_55] : memref<10240xf32, #tpu.memory_space<vmem_shared>> -> memref<10240xf32, #tpu.memory_space<vmem_shared>>
      tpu.wait_indirect_dma semaphore(%arg9 : memref<!tpu.dma_semaphore, #tpu.memory_space<semaphore_mem>>) src(%arg7 : memref<80xf32, #tpu.memory_space<vmem>>) dst(%dma_wait3A_56 : memref<10240xf32, #tpu.memory_space<vmem_shared>>)
    }
    %scan3A_41 = arith.constant 8 : i32
    %barrier3A_42 = arith.constant 0 : index
    tpu.barrier barrier_id(%barrier3A_42)
    %mul3A_43 = arith.constant 640 : i32
    %mul3A_44 = arith.muli %arg1, %mul3A_43 : i32
    %eq3A = arith.constant 0 : i32
    %eq3A_45 = arith.cmpi eq, %arg0, %eq3A : i32
    %convert_element_type3A = arith.extui %eq3A_45 : i1 to i32
    %cond3A = arith.constant 0 : i32
    %cond3A_46 = arith.cmpi ne, %convert_element_type3A, %cond3A : i32
    scf.if %cond3A_46 {
      "tpu.region"() ({
        %run_scoped3A = tpu.sem_alloc : memref<!tpu.dma_semaphore, #tpu.memory_space<semaphore_mem>>
        %dma_start3A = tpu.memref_slice %arg4[%mul3A_44] : memref<10240xf32, #tpu.memory_space<hbm>> -> memref<640xf32, #tpu.memory_space<hbm>>
        %dma_start3A_52 = tpu.memref_slice %arg8[%mul3A_44] : memref<10240xf32, #tpu.memory_space<vmem_shared>> -> memref<640xf32, #tpu.memory_space<vmem_shared>>
        tpu.enqueue_dma source(%dma_start3A_52 : memref<640xf32, #tpu.memory_space<vmem_shared>>) target(%dma_start3A : memref<640xf32, #tpu.memory_space<hbm>>) target_semaphore(%run_scoped3A : memref<!tpu.dma_semaphore, #tpu.memory_space<semaphore_mem>>)
        %dma_wait3A = tpu.memref_slice %arg4[%mul3A_44] : memref<10240xf32, #tpu.memory_space<hbm>> -> memref<640xf32, #tpu.memory_space<hbm>>
        %dma_wait3A_53 = tpu.memref_slice %arg8[%mul3A_44] : memref<10240xf32, #tpu.memory_space<vmem_shared>> -> memref<640xf32, #tpu.memory_space<vmem_shared>>
        tpu.wait_dma2 semaphore(%run_scoped3A : memref<!tpu.dma_semaphore, #tpu.memory_space<semaphore_mem>>) src(%dma_wait3A_53 : memref<640xf32, #tpu.memory_space<vmem_shared>>) dst(%dma_wait3A : memref<640xf32, #tpu.memory_space<hbm>>)
        tpu.yield
      }) : () -> ()
    } else {
    }
    %eq3A_47 = arith.constant 1 : i32
    %eq3A_48 = arith.cmpi eq, %arg0, %eq3A_47 : i32
    %convert_element_type3A_49 = arith.extui %eq3A_48 : i1 to i32
    %cond3A_50 = arith.constant 0 : i32
    %cond3A_51 = arith.cmpi ne, %convert_element_type3A_49, %cond3A_50 : i32
    scf.if %cond3A_51 {
      "tpu.region"() ({
        %run_scoped3A = tpu.sem_alloc : memref<!tpu.dma_semaphore, #tpu.memory_space<semaphore_mem>>
        %dma_start3A = tpu.memref_slice %arg5[%mul3A_44] : memref<10240xf32, #tpu.memory_space<hbm>> -> memref<640xf32, #tpu.memory_space<hbm>>
        %dma_start3A_52 = tpu.memref_slice %arg8[%mul3A_44] : memref<10240xf32, #tpu.memory_space<vmem_shared>> -> memref<640xf32, #tpu.memory_space<vmem_shared>>
        tpu.enqueue_dma source(%dma_start3A_52 : memref<640xf32, #tpu.memory_space<vmem_shared>>) target(%dma_start3A : memref<640xf32, #tpu.memory_space<hbm>>) target_semaphore(%run_scoped3A : memref<!tpu.dma_semaphore, #tpu.memory_space<semaphore_mem>>)
        %dma_wait3A = tpu.memref_slice %arg5[%mul3A_44] : memref<10240xf32, #tpu.memory_space<hbm>> -> memref<640xf32, #tpu.memory_space<hbm>>
        %dma_wait3A_53 = tpu.memref_slice %arg8[%mul3A_44] : memref<10240xf32, #tpu.memory_space<vmem_shared>> -> memref<640xf32, #tpu.memory_space<vmem_shared>>
        tpu.wait_dma2 semaphore(%run_scoped3A : memref<!tpu.dma_semaphore, #tpu.memory_space<semaphore_mem>>) src(%dma_wait3A_53 : memref<640xf32, #tpu.memory_space<vmem_shared>>) dst(%dma_wait3A : memref<640xf32, #tpu.memory_space<hbm>>)
        tpu.yield
      }) : () -> ()
    } else {
    }
    return
  }
}

#map = affine_map<(d0, d1) -> (0, 0)>
#map1 = affine_map<(d0, d1) -> (0, 0, 0)>
module attributes {stable_mosaic.version = 14 : i64} {
  func.func @k(%arg0: i32, %arg1: i32, %arg2: memref<10000x48xf32, #tpu.memory_space<hbm>>, %arg3: memref<32x125x80xi32, #tpu.memory_space<hbm>>, %arg4: memref<32x125x80xi32, #tpu.memory_space<hbm>>, %arg5: memref<16x640x48xf32, #tpu.memory_space<hbm>>, %arg6: memref<10240x48xf32, #tpu.memory_space<hbm>>, %arg7: memref<10240x48xf32, #tpu.memory_space<hbm>>, %arg8: memref<125x80xi32, #tpu.memory_space<vmem>>, %arg9: memref<125x80xi32, #tpu.memory_space<vmem>>, %arg10: memref<80x48xf32, #tpu.memory_space<vmem>>, %arg11: memref<80x48xf32, #tpu.memory_space<vmem>>, %arg12: memref<80x48xf32, #tpu.memory_space<vmem>>, %arg13: memref<80x48xf32, #tpu.memory_space<vmem>>, %arg14: memref<10240x48xf32, #tpu.memory_space<vmem_shared>>, %arg15: memref<!tpu.dma_semaphore, #tpu.memory_space<semaphore_mem>>, %arg16: memref<!tpu.dma_semaphore, #tpu.memory_space<semaphore_mem>>, %arg17: memref<!tpu.dma_semaphore, #tpu.memory_space<semaphore_mem>>, %arg18: memref<!tpu.dma_semaphore, #tpu.memory_space<semaphore_mem>>) attributes {dimension_semantics = [#tpu.dimension_semantics<core_parallel>, #tpu.dimension_semantics<subcore_parallel>], iteration_bounds = array<i64: 2, 16>, scalar_prefetch = 0 : i64, scratch_operands = 11 : i64, tpu.core_type = #tpu.core_type<sc_vector_subcore>, window_params = [{transform_indices = #map}, {transform_indices = #map1}, {transform_indices = #map1}, {transform_indices = #map1}, {transform_indices = #map}, {transform_indices = #map}]} {
    %mul3A = arith.constant 2 : i32
    %mul3A_0 = arith.muli %arg1, %mul3A : i32
    %add3A = arith.addi %mul3A_0, %arg0 : i32
    "tpu.region"() ({
      %run_scoped3A = tpu.sem_alloc : memref<!tpu.dma_semaphore, #tpu.memory_space<semaphore_mem>>
      %dma_start3A_156 = arith.constant 0 : i32
      %dma_start3A_157 = arith.constant 0 : i32
      %dma_start3A_158 = tpu.memref_slice %arg3[%add3A, %dma_start3A_156, %dma_start3A_157] : memref<32x125x80xi32, #tpu.memory_space<hbm>> -> memref<1x125x80xi32, #tpu.memory_space<hbm>>
      %dma_start3A_159 = tpu.memref_squeeze %dma_start3A_158 : memref<1x125x80xi32, #tpu.memory_space<hbm>> -> memref<125x80xi32, #tpu.memory_space<hbm>>
      %dma_start3A_160 = arith.constant 0 : i32
      %dma_start3A_161 = arith.constant 0 : i32
      %dma_start3A_162 = tpu.memref_slice %arg3[%add3A, %dma_start3A_160, %dma_start3A_161] : memref<32x125x80xi32, #tpu.memory_space<hbm>> -> memref<1x125x80xi32, #tpu.memory_space<hbm>>
      %dma_start3A_163 = tpu.memref_squeeze %dma_start3A_162 : memref<1x125x80xi32, #tpu.memory_space<hbm>> -> memref<125x80xi32, #tpu.memory_space<hbm>>
      tpu.enqueue_dma source(%dma_start3A_163 : memref<125x80xi32, #tpu.memory_space<hbm>>) target(%arg8 : memref<125x80xi32, #tpu.memory_space<vmem>>) target_semaphore(%run_scoped3A : memref<!tpu.dma_semaphore, #tpu.memory_space<semaphore_mem>>)
      %dma_wait3A_164 = arith.constant 0 : i32
      %dma_wait3A_165 = arith.constant 0 : i32
      %dma_wait3A_166 = tpu.memref_slice %arg3[%add3A, %dma_wait3A_164, %dma_wait3A_165] : memref<32x125x80xi32, #tpu.memory_space<hbm>> -> memref<1x125x80xi32, #tpu.memory_space<hbm>>
      %dma_wait3A_167 = tpu.memref_squeeze %dma_wait3A_166 : memref<1x125x80xi32, #tpu.memory_space<hbm>> -> memref<125x80xi32, #tpu.memory_space<hbm>>
      %dma_wait3A_168 = arith.constant 0 : i32
      %dma_wait3A_169 = arith.constant 0 : i32
      %dma_wait3A_170 = tpu.memref_slice %arg3[%add3A, %dma_wait3A_168, %dma_wait3A_169] : memref<32x125x80xi32, #tpu.memory_space<hbm>> -> memref<1x125x80xi32, #tpu.memory_space<hbm>>
      %dma_wait3A_171 = tpu.memref_squeeze %dma_wait3A_170 : memref<1x125x80xi32, #tpu.memory_space<hbm>> -> memref<125x80xi32, #tpu.memory_space<hbm>>
      tpu.wait_dma2 semaphore(%run_scoped3A : memref<!tpu.dma_semaphore, #tpu.memory_space<semaphore_mem>>) src(%dma_wait3A_171 : memref<125x80xi32, #tpu.memory_space<hbm>>) dst(%arg8 : memref<125x80xi32, #tpu.memory_space<vmem>>)
      tpu.yield
    }) : () -> ()
    "tpu.region"() ({
      %run_scoped3A = tpu.sem_alloc : memref<!tpu.dma_semaphore, #tpu.memory_space<semaphore_mem>>
      %dma_start3A_156 = arith.constant 0 : i32
      %dma_start3A_157 = arith.constant 0 : i32
      %dma_start3A_158 = tpu.memref_slice %arg4[%add3A, %dma_start3A_156, %dma_start3A_157] : memref<32x125x80xi32, #tpu.memory_space<hbm>> -> memref<1x125x80xi32, #tpu.memory_space<hbm>>
      %dma_start3A_159 = tpu.memref_squeeze %dma_start3A_158 : memref<1x125x80xi32, #tpu.memory_space<hbm>> -> memref<125x80xi32, #tpu.memory_space<hbm>>
      %dma_start3A_160 = arith.constant 0 : i32
      %dma_start3A_161 = arith.constant 0 : i32
      %dma_start3A_162 = tpu.memref_slice %arg4[%add3A, %dma_start3A_160, %dma_start3A_161] : memref<32x125x80xi32, #tpu.memory_space<hbm>> -> memref<1x125x80xi32, #tpu.memory_space<hbm>>
      %dma_start3A_163 = tpu.memref_squeeze %dma_start3A_162 : memref<1x125x80xi32, #tpu.memory_space<hbm>> -> memref<125x80xi32, #tpu.memory_space<hbm>>
      tpu.enqueue_dma source(%dma_start3A_163 : memref<125x80xi32, #tpu.memory_space<hbm>>) target(%arg9 : memref<125x80xi32, #tpu.memory_space<vmem>>) target_semaphore(%run_scoped3A : memref<!tpu.dma_semaphore, #tpu.memory_space<semaphore_mem>>)
      %dma_wait3A_164 = arith.constant 0 : i32
      %dma_wait3A_165 = arith.constant 0 : i32
      %dma_wait3A_166 = tpu.memref_slice %arg4[%add3A, %dma_wait3A_164, %dma_wait3A_165] : memref<32x125x80xi32, #tpu.memory_space<hbm>> -> memref<1x125x80xi32, #tpu.memory_space<hbm>>
      %dma_wait3A_167 = tpu.memref_squeeze %dma_wait3A_166 : memref<1x125x80xi32, #tpu.memory_space<hbm>> -> memref<125x80xi32, #tpu.memory_space<hbm>>
      %dma_wait3A_168 = arith.constant 0 : i32
      %dma_wait3A_169 = arith.constant 0 : i32
      %dma_wait3A_170 = tpu.memref_slice %arg4[%add3A, %dma_wait3A_168, %dma_wait3A_169] : memref<32x125x80xi32, #tpu.memory_space<hbm>> -> memref<1x125x80xi32, #tpu.memory_space<hbm>>
      %dma_wait3A_171 = tpu.memref_squeeze %dma_wait3A_170 : memref<1x125x80xi32, #tpu.memory_space<hbm>> -> memref<125x80xi32, #tpu.memory_space<hbm>>
      tpu.wait_dma2 semaphore(%run_scoped3A : memref<!tpu.dma_semaphore, #tpu.memory_space<semaphore_mem>>) src(%dma_wait3A_171 : memref<125x80xi32, #tpu.memory_space<hbm>>) dst(%arg9 : memref<125x80xi32, #tpu.memory_space<vmem>>)
      tpu.yield
    }) : () -> ()
    %mul3A_1 = arith.constant 640 : i32
    %mul3A_2 = arith.muli %arg1, %mul3A_1 : i32
    "tpu.region"() ({
      %run_scoped3A = tpu.sem_alloc : memref<!tpu.dma_semaphore, #tpu.memory_space<semaphore_mem>>
      %dma_start3A_156 = arith.constant 0 : i32
      %dma_start3A_157 = tpu.memref_slice %arg14[%mul3A_2, %dma_start3A_156] : memref<10240x48xf32, #tpu.memory_space<vmem_shared>> -> memref<640x48xf32, #tpu.memory_space<vmem_shared>>
      %dma_start3A_158 = arith.constant 0 : i32
      %dma_start3A_159 = arith.constant 0 : i32
      %dma_start3A_160 = tpu.memref_slice %arg5[%arg1, %dma_start3A_158, %dma_start3A_159] : memref<16x640x48xf32, #tpu.memory_space<hbm>> -> memref<1x640x48xf32, #tpu.memory_space<hbm>>
      %dma_start3A_161 = tpu.memref_squeeze %dma_start3A_160 : memref<1x640x48xf32, #tpu.memory_space<hbm>> -> memref<640x48xf32, #tpu.memory_space<hbm>>
      tpu.enqueue_dma source(%dma_start3A_161 : memref<640x48xf32, #tpu.memory_space<hbm>>) target(%dma_start3A_157 : memref<640x48xf32, #tpu.memory_space<vmem_shared>>) target_semaphore(%run_scoped3A : memref<!tpu.dma_semaphore, #tpu.memory_space<semaphore_mem>>)
      %dma_wait3A_162 = arith.constant 0 : i32
      %dma_wait3A_163 = tpu.memref_slice %arg14[%mul3A_2, %dma_wait3A_162] : memref<10240x48xf32, #tpu.memory_space<vmem_shared>> -> memref<640x48xf32, #tpu.memory_space<vmem_shared>>
      %dma_wait3A_164 = arith.constant 0 : i32
      %dma_wait3A_165 = arith.constant 0 : i32
      %dma_wait3A_166 = tpu.memref_slice %arg5[%arg1, %dma_wait3A_164, %dma_wait3A_165] : memref<16x640x48xf32, #tpu.memory_space<hbm>> -> memref<1x640x48xf32, #tpu.memory_space<hbm>>
      %dma_wait3A_167 = tpu.memref_squeeze %dma_wait3A_166 : memref<1x640x48xf32, #tpu.memory_space<hbm>> -> memref<640x48xf32, #tpu.memory_space<hbm>>
      tpu.wait_dma2 semaphore(%run_scoped3A : memref<!tpu.dma_semaphore, #tpu.memory_space<semaphore_mem>>) src(%dma_wait3A_167 : memref<640x48xf32, #tpu.memory_space<hbm>>) dst(%dma_wait3A_163 : memref<640x48xf32, #tpu.memory_space<vmem_shared>>)
      tpu.yield
    }) : () -> ()
    %barrier3A = arith.constant 0 : index
    tpu.barrier barrier_id(%barrier3A)
    %dma_start3A = arith.constant 0 : i32
    %dma_start3A_3 = arith.constant 0 : i32
    %dma_start3A_4 = tpu.memref_slice %arg8[%dma_start3A, %dma_start3A_3] : memref<125x80xi32, #tpu.memory_space<vmem>> -> memref<1x80xi32, #tpu.memory_space<vmem>>
    %dma_start3A_5 = tpu.memref_squeeze %dma_start3A_4 : memref<1x80xi32, #tpu.memory_space<vmem>> -> memref<80xi32, #tpu.memory_space<vmem>>
    %dma_start3A_6 = arith.constant 0 : i32
    %dma_start3A_7 = arith.constant 0 : i32
    %dma_start3A_8 = tpu.memref_slice %arg2[%dma_start3A_6, %dma_start3A_7] : memref<10000x48xf32, #tpu.memory_space<hbm>> -> memref<10000x48xf32, #tpu.memory_space<hbm>>
    tpu.enqueue_indirect_dma source(%dma_start3A_8 : memref<10000x48xf32, #tpu.memory_space<hbm>>) target(%arg10 : memref<80x48xf32, #tpu.memory_space<vmem>>) offsets(%dma_start3A_5 : memref<80xi32, #tpu.memory_space<vmem>>) semaphore(%arg15 : memref<!tpu.dma_semaphore, #tpu.memory_space<semaphore_mem>>)
    %dma_start3A_9 = arith.constant 1 : i32
    %dma_start3A_10 = arith.constant 0 : i32
    %dma_start3A_11 = tpu.memref_slice %arg8[%dma_start3A_9, %dma_start3A_10] : memref<125x80xi32, #tpu.memory_space<vmem>> -> memref<1x80xi32, #tpu.memory_space<vmem>>
    %dma_start3A_12 = tpu.memref_squeeze %dma_start3A_11 : memref<1x80xi32, #tpu.memory_space<vmem>> -> memref<80xi32, #tpu.memory_space<vmem>>
    %dma_start3A_13 = arith.constant 0 : i32
    %dma_start3A_14 = arith.constant 0 : i32
    %dma_start3A_15 = tpu.memref_slice %arg2[%dma_start3A_13, %dma_start3A_14] : memref<10000x48xf32, #tpu.memory_space<hbm>> -> memref<10000x48xf32, #tpu.memory_space<hbm>>
    tpu.enqueue_indirect_dma source(%dma_start3A_15 : memref<10000x48xf32, #tpu.memory_space<hbm>>) target(%arg11 : memref<80x48xf32, #tpu.memory_space<vmem>>) offsets(%dma_start3A_12 : memref<80xi32, #tpu.memory_space<vmem>>) semaphore(%arg16 : memref<!tpu.dma_semaphore, #tpu.memory_space<semaphore_mem>>)
    %dma_start3A_16 = arith.constant 2 : i32
    %dma_start3A_17 = arith.constant 0 : i32
    %dma_start3A_18 = tpu.memref_slice %arg8[%dma_start3A_16, %dma_start3A_17] : memref<125x80xi32, #tpu.memory_space<vmem>> -> memref<1x80xi32, #tpu.memory_space<vmem>>
    %dma_start3A_19 = tpu.memref_squeeze %dma_start3A_18 : memref<1x80xi32, #tpu.memory_space<vmem>> -> memref<80xi32, #tpu.memory_space<vmem>>
    %dma_start3A_20 = arith.constant 0 : i32
    %dma_start3A_21 = arith.constant 0 : i32
    %dma_start3A_22 = tpu.memref_slice %arg2[%dma_start3A_20, %dma_start3A_21] : memref<10000x48xf32, #tpu.memory_space<hbm>> -> memref<10000x48xf32, #tpu.memory_space<hbm>>
    tpu.enqueue_indirect_dma source(%dma_start3A_22 : memref<10000x48xf32, #tpu.memory_space<hbm>>) target(%arg12 : memref<80x48xf32, #tpu.memory_space<vmem>>) offsets(%dma_start3A_19 : memref<80xi32, #tpu.memory_space<vmem>>) semaphore(%arg17 : memref<!tpu.dma_semaphore, #tpu.memory_space<semaphore_mem>>)
    %dma_wait3A = arith.constant 0 : i32
    %dma_wait3A_23 = arith.constant 0 : i32
    %dma_wait3A_24 = tpu.memref_slice %arg8[%dma_wait3A, %dma_wait3A_23] : memref<125x80xi32, #tpu.memory_space<vmem>> -> memref<1x80xi32, #tpu.memory_space<vmem>>
    %dma_wait3A_25 = tpu.memref_squeeze %dma_wait3A_24 : memref<1x80xi32, #tpu.memory_space<vmem>> -> memref<80xi32, #tpu.memory_space<vmem>>
    %dma_wait3A_26 = arith.constant 0 : i32
    %dma_wait3A_27 = arith.constant 0 : i32
    %dma_wait3A_28 = tpu.memref_slice %arg2[%dma_wait3A_26, %dma_wait3A_27] : memref<10000x48xf32, #tpu.memory_space<hbm>> -> memref<10000x48xf32, #tpu.memory_space<hbm>>
    tpu.wait_indirect_dma semaphore(%arg15 : memref<!tpu.dma_semaphore, #tpu.memory_space<semaphore_mem>>) src(%dma_wait3A_28 : memref<10000x48xf32, #tpu.memory_space<hbm>>) dst(%arg10 : memref<80x48xf32, #tpu.memory_space<vmem>>)
    %dma_start3A_29 = arith.constant 0 : i32
    %dma_start3A_30 = arith.constant 0 : i32
    %dma_start3A_31 = tpu.memref_slice %arg9[%dma_start3A_29, %dma_start3A_30] : memref<125x80xi32, #tpu.memory_space<vmem>> -> memref<1x80xi32, #tpu.memory_space<vmem>>
    %dma_start3A_32 = tpu.memref_squeeze %dma_start3A_31 : memref<1x80xi32, #tpu.memory_space<vmem>> -> memref<80xi32, #tpu.memory_space<vmem>>
    %dma_start3A_33 = arith.constant 0 : i32
    %dma_start3A_34 = arith.constant 0 : i32
    %dma_start3A_35 = tpu.memref_slice %arg14[%dma_start3A_33, %dma_start3A_34] : memref<10240x48xf32, #tpu.memory_space<vmem_shared>> -> memref<10240x48xf32, #tpu.memory_space<vmem_shared>>
    tpu.enqueue_indirect_dma source(%arg10 : memref<80x48xf32, #tpu.memory_space<vmem>>) target(%dma_start3A_35 : memref<10240x48xf32, #tpu.memory_space<vmem_shared>>) offsets(%dma_start3A_32 : memref<80xi32, #tpu.memory_space<vmem>>) semaphore(%arg15 : memref<!tpu.dma_semaphore, #tpu.memory_space<semaphore_mem>>) {add = true}
    %dma_start3A_36 = arith.constant 3 : i32
    %dma_start3A_37 = arith.constant 0 : i32
    %dma_start3A_38 = tpu.memref_slice %arg8[%dma_start3A_36, %dma_start3A_37] : memref<125x80xi32, #tpu.memory_space<vmem>> -> memref<1x80xi32, #tpu.memory_space<vmem>>
    %dma_start3A_39 = tpu.memref_squeeze %dma_start3A_38 : memref<1x80xi32, #tpu.memory_space<vmem>> -> memref<80xi32, #tpu.memory_space<vmem>>
    %dma_start3A_40 = arith.constant 0 : i32
    %dma_start3A_41 = arith.constant 0 : i32
    %dma_start3A_42 = tpu.memref_slice %arg2[%dma_start3A_40, %dma_start3A_41] : memref<10000x48xf32, #tpu.memory_space<hbm>> -> memref<10000x48xf32, #tpu.memory_space<hbm>>
    tpu.enqueue_indirect_dma source(%dma_start3A_42 : memref<10000x48xf32, #tpu.memory_space<hbm>>) target(%arg13 : memref<80x48xf32, #tpu.memory_space<vmem>>) offsets(%dma_start3A_39 : memref<80xi32, #tpu.memory_space<vmem>>) semaphore(%arg18 : memref<!tpu.dma_semaphore, #tpu.memory_space<semaphore_mem>>)
    %dma_wait3A_43 = arith.constant 1 : i32
    %dma_wait3A_44 = arith.constant 0 : i32
    %dma_wait3A_45 = tpu.memref_slice %arg8[%dma_wait3A_43, %dma_wait3A_44] : memref<125x80xi32, #tpu.memory_space<vmem>> -> memref<1x80xi32, #tpu.memory_space<vmem>>
    %dma_wait3A_46 = tpu.memref_squeeze %dma_wait3A_45 : memref<1x80xi32, #tpu.memory_space<vmem>> -> memref<80xi32, #tpu.memory_space<vmem>>
    %dma_wait3A_47 = arith.constant 0 : i32
    %dma_wait3A_48 = arith.constant 0 : i32
    %dma_wait3A_49 = tpu.memref_slice %arg2[%dma_wait3A_47, %dma_wait3A_48] : memref<10000x48xf32, #tpu.memory_space<hbm>> -> memref<10000x48xf32, #tpu.memory_space<hbm>>
    tpu.wait_indirect_dma semaphore(%arg16 : memref<!tpu.dma_semaphore, #tpu.memory_space<semaphore_mem>>) src(%dma_wait3A_49 : memref<10000x48xf32, #tpu.memory_space<hbm>>) dst(%arg11 : memref<80x48xf32, #tpu.memory_space<vmem>>)
    %dma_start3A_50 = arith.constant 1 : i32
    %dma_start3A_51 = arith.constant 0 : i32
    %dma_start3A_52 = tpu.memref_slice %arg9[%dma_start3A_50, %dma_start3A_51] : memref<125x80xi32, #tpu.memory_space<vmem>> -> memref<1x80xi32, #tpu.memory_space<vmem>>
    %dma_start3A_53 = tpu.memref_squeeze %dma_start3A_52 : memref<1x80xi32, #tpu.memory_space<vmem>> -> memref<80xi32, #tpu.memory_space<vmem>>
    %dma_start3A_54 = arith.constant 0 : i32
    %dma_start3A_55 = arith.constant 0 : i32
    %dma_start3A_56 = tpu.memref_slice %arg14[%dma_start3A_54, %dma_start3A_55] : memref<10240x48xf32, #tpu.memory_space<vmem_shared>> -> memref<10240x48xf32, #tpu.memory_space<vmem_shared>>
    tpu.enqueue_indirect_dma source(%arg11 : memref<80x48xf32, #tpu.memory_space<vmem>>) target(%dma_start3A_56 : memref<10240x48xf32, #tpu.memory_space<vmem_shared>>) offsets(%dma_start3A_53 : memref<80xi32, #tpu.memory_space<vmem>>) semaphore(%arg16 : memref<!tpu.dma_semaphore, #tpu.memory_space<semaphore_mem>>) {add = true}
    %scan3A = arith.constant 0 : i32
    %scan3A_57 = arith.constant 0 : i32
    %scan3A_58 = arith.constant 30 : i32
    %scan3A_59 = arith.addi %scan3A_57, %scan3A_58 : i32
    %scan3A_60 = arith.constant 1 : i32
    scf.for %scan3A_156 = %scan3A_57 to %scan3A_59 step %scan3A_60  : i32 {
      %mul3A_157 = arith.constant 4 : i32
      %mul3A_158 = arith.muli %mul3A_157, %scan3A_156 : i32
      %add3A_159 = arith.constant 2 : i32
      %add3A_160 = arith.addi %mul3A_158, %add3A_159 : i32
      %add3A_161 = arith.constant 0 : i32
      %add3A_162 = arith.addi %add3A_160, %add3A_161 : i32
      %sub3A = arith.constant 2 : i32
      %sub3A_163 = arith.subi %add3A_162, %sub3A : i32
      %dma_wait3A_164 = arith.constant 0 : i32
      %dma_wait3A_165 = tpu.memref_slice %arg9[%sub3A_163, %dma_wait3A_164] : memref<125x80xi32, #tpu.memory_space<vmem>> -> memref<1x80xi32, #tpu.memory_space<vmem>>
      %dma_wait3A_166 = tpu.memref_squeeze %dma_wait3A_165 : memref<1x80xi32, #tpu.memory_space<vmem>> -> memref<80xi32, #tpu.memory_space<vmem>>
      %dma_wait3A_167 = arith.constant 0 : i32
      %dma_wait3A_168 = arith.constant 0 : i32
      %dma_wait3A_169 = tpu.memref_slice %arg14[%dma_wait3A_167, %dma_wait3A_168] : memref<10240x48xf32, #tpu.memory_space<vmem_shared>> -> memref<10240x48xf32, #tpu.memory_space<vmem_shared>>
      tpu.wait_indirect_dma semaphore(%arg15 : memref<!tpu.dma_semaphore, #tpu.memory_space<semaphore_mem>>) src(%arg10 : memref<80x48xf32, #tpu.memory_space<vmem>>) dst(%dma_wait3A_169 : memref<10240x48xf32, #tpu.memory_space<vmem_shared>>)
      %add3A_170 = arith.constant 2 : i32
      %add3A_171 = arith.addi %add3A_162, %add3A_170 : i32
      %dma_start3A_172 = arith.constant 0 : i32
      %dma_start3A_173 = tpu.memref_slice %arg8[%add3A_171, %dma_start3A_172] : memref<125x80xi32, #tpu.memory_space<vmem>> -> memref<1x80xi32, #tpu.memory_space<vmem>>
      %dma_start3A_174 = tpu.memref_squeeze %dma_start3A_173 : memref<1x80xi32, #tpu.memory_space<vmem>> -> memref<80xi32, #tpu.memory_space<vmem>>
      %dma_start3A_175 = arith.constant 0 : i32
      %dma_start3A_176 = arith.constant 0 : i32
      %dma_start3A_177 = tpu.memref_slice %arg2[%dma_start3A_175, %dma_start3A_176] : memref<10000x48xf32, #tpu.memory_space<hbm>> -> memref<10000x48xf32, #tpu.memory_space<hbm>>
      tpu.enqueue_indirect_dma source(%dma_start3A_177 : memref<10000x48xf32, #tpu.memory_space<hbm>>) target(%arg10 : memref<80x48xf32, #tpu.memory_space<vmem>>) offsets(%dma_start3A_174 : memref<80xi32, #tpu.memory_space<vmem>>) semaphore(%arg15 : memref<!tpu.dma_semaphore, #tpu.memory_space<semaphore_mem>>)
      %dma_wait3A_178 = arith.constant 0 : i32
      %dma_wait3A_179 = tpu.memref_slice %arg8[%add3A_162, %dma_wait3A_178] : memref<125x80xi32, #tpu.memory_space<vmem>> -> memref<1x80xi32, #tpu.memory_space<vmem>>
      %dma_wait3A_180 = tpu.memref_squeeze %dma_wait3A_179 : memref<1x80xi32, #tpu.memory_space<vmem>> -> memref<80xi32, #tpu.memory_space<vmem>>
      %dma_wait3A_181 = arith.constant 0 : i32
      %dma_wait3A_182 = arith.constant 0 : i32
      %dma_wait3A_183 = tpu.memref_slice %arg2[%dma_wait3A_181, %dma_wait3A_182] : memref<10000x48xf32, #tpu.memory_space<hbm>> -> memref<10000x48xf32, #tpu.memory_space<hbm>>
      tpu.wait_indirect_dma semaphore(%arg17 : memref<!tpu.dma_semaphore, #tpu.memory_space<semaphore_mem>>) src(%dma_wait3A_183 : memref<10000x48xf32, #tpu.memory_space<hbm>>) dst(%arg12 : memref<80x48xf32, #tpu.memory_space<vmem>>)
      %dma_start3A_184 = arith.constant 0 : i32
      %dma_start3A_185 = tpu.memref_slice %arg9[%add3A_162, %dma_start3A_184] : memref<125x80xi32, #tpu.memory_space<vmem>> -> memref<1x80xi32, #tpu.memory_space<vmem>>
      %dma_start3A_186 = tpu.memref_squeeze %dma_start3A_185 : memref<1x80xi32, #tpu.memory_space<vmem>> -> memref<80xi32, #tpu.memory_space<vmem>>
      %dma_start3A_187 = arith.constant 0 : i32
      %dma_start3A_188 = arith.constant 0 : i32
      %dma_start3A_189 = tpu.memref_slice %arg14[%dma_start3A_187, %dma_start3A_188] : memref<10240x48xf32, #tpu.memory_space<vmem_shared>> -> memref<10240x48xf32, #tpu.memory_space<vmem_shared>>
      tpu.enqueue_indirect_dma source(%arg12 : memref<80x48xf32, #tpu.memory_space<vmem>>) target(%dma_start3A_189 : memref<10240x48xf32, #tpu.memory_space<vmem_shared>>) offsets(%dma_start3A_186 : memref<80xi32, #tpu.memory_space<vmem>>) semaphore(%arg17 : memref<!tpu.dma_semaphore, #tpu.memory_space<semaphore_mem>>) {add = true}
      %add3A_190 = arith.constant 1 : i32
      %add3A_191 = arith.addi %add3A_160, %add3A_190 : i32
      %sub3A_192 = arith.constant 2 : i32
      %sub3A_193 = arith.subi %add3A_191, %sub3A_192 : i32
      %dma_wait3A_194 = arith.constant 0 : i32
      %dma_wait3A_195 = tpu.memref_slice %arg9[%sub3A_193, %dma_wait3A_194] : memref<125x80xi32, #tpu.memory_space<vmem>> -> memref<1x80xi32, #tpu.memory_space<vmem>>
      %dma_wait3A_196 = tpu.memref_squeeze %dma_wait3A_195 : memref<1x80xi32, #tpu.memory_space<vmem>> -> memref<80xi32, #tpu.memory_space<vmem>>
      %dma_wait3A_197 = arith.constant 0 : i32
      %dma_wait3A_198 = arith.constant 0 : i32
      %dma_wait3A_199 = tpu.memref_slice %arg14[%dma_wait3A_197, %dma_wait3A_198] : memref<10240x48xf32, #tpu.memory_space<vmem_shared>> -> memref<10240x48xf32, #tpu.memory_space<vmem_shared>>
      tpu.wait_indirect_dma semaphore(%arg16 : memref<!tpu.dma_semaphore, #tpu.memory_space<semaphore_mem>>) src(%arg11 : memref<80x48xf32, #tpu.memory_space<vmem>>) dst(%dma_wait3A_199 : memref<10240x48xf32, #tpu.memory_space<vmem_shared>>)
      %add3A_200 = arith.constant 2 : i32
      %add3A_201 = arith.addi %add3A_191, %add3A_200 : i32
      %dma_start3A_202 = arith.constant 0 : i32
      %dma_start3A_203 = tpu.memref_slice %arg8[%add3A_201, %dma_start3A_202] : memref<125x80xi32, #tpu.memory_space<vmem>> -> memref<1x80xi32, #tpu.memory_space<vmem>>
      %dma_start3A_204 = tpu.memref_squeeze %dma_start3A_203 : memref<1x80xi32, #tpu.memory_space<vmem>> -> memref<80xi32, #tpu.memory_space<vmem>>
      %dma_start3A_205 = arith.constant 0 : i32
      %dma_start3A_206 = arith.constant 0 : i32
      %dma_start3A_207 = tpu.memref_slice %arg2[%dma_start3A_205, %dma_start3A_206] : memref<10000x48xf32, #tpu.memory_space<hbm>> -> memref<10000x48xf32, #tpu.memory_space<hbm>>
      tpu.enqueue_indirect_dma source(%dma_start3A_207 : memref<10000x48xf32, #tpu.memory_space<hbm>>) target(%arg11 : memref<80x48xf32, #tpu.memory_space<vmem>>) offsets(%dma_start3A_204 : memref<80xi32, #tpu.memory_space<vmem>>) semaphore(%arg16 : memref<!tpu.dma_semaphore, #tpu.memory_space<semaphore_mem>>)
      %dma_wait3A_208 = arith.constant 0 : i32
      %dma_wait3A_209 = tpu.memref_slice %arg8[%add3A_191, %dma_wait3A_208] : memref<125x80xi32, #tpu.memory_space<vmem>> -> memref<1x80xi32, #tpu.memory_space<vmem>>
      %dma_wait3A_210 = tpu.memref_squeeze %dma_wait3A_209 : memref<1x80xi32, #tpu.memory_space<vmem>> -> memref<80xi32, #tpu.memory_space<vmem>>
      %dma_wait3A_211 = arith.constant 0 : i32
      %dma_wait3A_212 = arith.constant 0 : i32
      %dma_wait3A_213 = tpu.memref_slice %arg2[%dma_wait3A_211, %dma_wait3A_212] : memref<10000x48xf32, #tpu.memory_space<hbm>> -> memref<10000x48xf32, #tpu.memory_space<hbm>>
      tpu.wait_indirect_dma semaphore(%arg18 : memref<!tpu.dma_semaphore, #tpu.memory_space<semaphore_mem>>) src(%dma_wait3A_213 : memref<10000x48xf32, #tpu.memory_space<hbm>>) dst(%arg13 : memref<80x48xf32, #tpu.memory_space<vmem>>)
      %dma_start3A_214 = arith.constant 0 : i32
      %dma_start3A_215 = tpu.memref_slice %arg9[%add3A_191, %dma_start3A_214] : memref<125x80xi32, #tpu.memory_space<vmem>> -> memref<1x80xi32, #tpu.memory_space<vmem>>
      %dma_start3A_216 = tpu.memref_squeeze %dma_start3A_215 : memref<1x80xi32, #tpu.memory_space<vmem>> -> memref<80xi32, #tpu.memory_space<vmem>>
      %dma_start3A_217 = arith.constant 0 : i32
      %dma_start3A_218 = arith.constant 0 : i32
      %dma_start3A_219 = tpu.memref_slice %arg14[%dma_start3A_217, %dma_start3A_218] : memref<10240x48xf32, #tpu.memory_space<vmem_shared>> -> memref<10240x48xf32, #tpu.memory_space<vmem_shared>>
      tpu.enqueue_indirect_dma source(%arg13 : memref<80x48xf32, #tpu.memory_space<vmem>>) target(%dma_start3A_219 : memref<10240x48xf32, #tpu.memory_space<vmem_shared>>) offsets(%dma_start3A_216 : memref<80xi32, #tpu.memory_space<vmem>>) semaphore(%arg18 : memref<!tpu.dma_semaphore, #tpu.memory_space<semaphore_mem>>) {add = true}
      %add3A_220 = arith.constant 2 : i32
      %add3A_221 = arith.addi %add3A_160, %add3A_220 : i32
      %sub3A_222 = arith.constant 2 : i32
      %sub3A_223 = arith.subi %add3A_221, %sub3A_222 : i32
      %dma_wait3A_224 = arith.constant 0 : i32
      %dma_wait3A_225 = tpu.memref_slice %arg9[%sub3A_223, %dma_wait3A_224] : memref<125x80xi32, #tpu.memory_space<vmem>> -> memref<1x80xi32, #tpu.memory_space<vmem>>
      %dma_wait3A_226 = tpu.memref_squeeze %dma_wait3A_225 : memref<1x80xi32, #tpu.memory_space<vmem>> -> memref<80xi32, #tpu.memory_space<vmem>>
      %dma_wait3A_227 = arith.constant 0 : i32
      %dma_wait3A_228 = arith.constant 0 : i32
      %dma_wait3A_229 = tpu.memref_slice %arg14[%dma_wait3A_227, %dma_wait3A_228] : memref<10240x48xf32, #tpu.memory_space<vmem_shared>> -> memref<10240x48xf32, #tpu.memory_space<vmem_shared>>
      tpu.wait_indirect_dma semaphore(%arg17 : memref<!tpu.dma_semaphore, #tpu.memory_space<semaphore_mem>>) src(%arg12 : memref<80x48xf32, #tpu.memory_space<vmem>>) dst(%dma_wait3A_229 : memref<10240x48xf32, #tpu.memory_space<vmem_shared>>)
      %add3A_230 = arith.constant 2 : i32
      %add3A_231 = arith.addi %add3A_221, %add3A_230 : i32
      %dma_start3A_232 = arith.constant 0 : i32
      %dma_start3A_233 = tpu.memref_slice %arg8[%add3A_231, %dma_start3A_232] : memref<125x80xi32, #tpu.memory_space<vmem>> -> memref<1x80xi32, #tpu.memory_space<vmem>>
      %dma_start3A_234 = tpu.memref_squeeze %dma_start3A_233 : memref<1x80xi32, #tpu.memory_space<vmem>> -> memref<80xi32, #tpu.memory_space<vmem>>
      %dma_start3A_235 = arith.constant 0 : i32
      %dma_start3A_236 = arith.constant 0 : i32
      %dma_start3A_237 = tpu.memref_slice %arg2[%dma_start3A_235, %dma_start3A_236] : memref<10000x48xf32, #tpu.memory_space<hbm>> -> memref<10000x48xf32, #tpu.memory_space<hbm>>
      tpu.enqueue_indirect_dma source(%dma_start3A_237 : memref<10000x48xf32, #tpu.memory_space<hbm>>) target(%arg12 : memref<80x48xf32, #tpu.memory_space<vmem>>) offsets(%dma_start3A_234 : memref<80xi32, #tpu.memory_space<vmem>>) semaphore(%arg17 : memref<!tpu.dma_semaphore, #tpu.memory_space<semaphore_mem>>)
      %dma_wait3A_238 = arith.constant 0 : i32
      %dma_wait3A_239 = tpu.memref_slice %arg8[%add3A_221, %dma_wait3A_238] : memref<125x80xi32, #tpu.memory_space<vmem>> -> memref<1x80xi32, #tpu.memory_space<vmem>>
      %dma_wait3A_240 = tpu.memref_squeeze %dma_wait3A_239 : memref<1x80xi32, #tpu.memory_space<vmem>> -> memref<80xi32, #tpu.memory_space<vmem>>
      %dma_wait3A_241 = arith.constant 0 : i32
      %dma_wait3A_242 = arith.constant 0 : i32
      %dma_wait3A_243 = tpu.memref_slice %arg2[%dma_wait3A_241, %dma_wait3A_242] : memref<10000x48xf32, #tpu.memory_space<hbm>> -> memref<10000x48xf32, #tpu.memory_space<hbm>>
      tpu.wait_indirect_dma semaphore(%arg15 : memref<!tpu.dma_semaphore, #tpu.memory_space<semaphore_mem>>) src(%dma_wait3A_243 : memref<10000x48xf32, #tpu.memory_space<hbm>>) dst(%arg10 : memref<80x48xf32, #tpu.memory_space<vmem>>)
      %dma_start3A_244 = arith.constant 0 : i32
      %dma_start3A_245 = tpu.memref_slice %arg9[%add3A_221, %dma_start3A_244] : memref<125x80xi32, #tpu.memory_space<vmem>> -> memref<1x80xi32, #tpu.memory_space<vmem>>
      %dma_start3A_246 = tpu.memref_squeeze %dma_start3A_245 : memref<1x80xi32, #tpu.memory_space<vmem>> -> memref<80xi32, #tpu.memory_space<vmem>>
      %dma_start3A_247 = arith.constant 0 : i32
      %dma_start3A_248 = arith.constant 0 : i32
      %dma_start3A_249 = tpu.memref_slice %arg14[%dma_start3A_247, %dma_start3A_248] : memref<10240x48xf32, #tpu.memory_space<vmem_shared>> -> memref<10240x48xf32, #tpu.memory_space<vmem_shared>>
      tpu.enqueue_indirect_dma source(%arg10 : memref<80x48xf32, #tpu.memory_space<vmem>>) target(%dma_start3A_249 : memref<10240x48xf32, #tpu.memory_space<vmem_shared>>) offsets(%dma_start3A_246 : memref<80xi32, #tpu.memory_space<vmem>>) semaphore(%arg15 : memref<!tpu.dma_semaphore, #tpu.memory_space<semaphore_mem>>) {add = true}
      %add3A_250 = arith.constant 3 : i32
      %add3A_251 = arith.addi %add3A_160, %add3A_250 : i32
      %sub3A_252 = arith.constant 2 : i32
      %sub3A_253 = arith.subi %add3A_251, %sub3A_252 : i32
      %dma_wait3A_254 = arith.constant 0 : i32
      %dma_wait3A_255 = tpu.memref_slice %arg9[%sub3A_253, %dma_wait3A_254] : memref<125x80xi32, #tpu.memory_space<vmem>> -> memref<1x80xi32, #tpu.memory_space<vmem>>
      %dma_wait3A_256 = tpu.memref_squeeze %dma_wait3A_255 : memref<1x80xi32, #tpu.memory_space<vmem>> -> memref<80xi32, #tpu.memory_space<vmem>>
      %dma_wait3A_257 = arith.constant 0 : i32
      %dma_wait3A_258 = arith.constant 0 : i32
      %dma_wait3A_259 = tpu.memref_slice %arg14[%dma_wait3A_257, %dma_wait3A_258] : memref<10240x48xf32, #tpu.memory_space<vmem_shared>> -> memref<10240x48xf32, #tpu.memory_space<vmem_shared>>
      tpu.wait_indirect_dma semaphore(%arg18 : memref<!tpu.dma_semaphore, #tpu.memory_space<semaphore_mem>>) src(%arg13 : memref<80x48xf32, #tpu.memory_space<vmem>>) dst(%dma_wait3A_259 : memref<10240x48xf32, #tpu.memory_space<vmem_shared>>)
      %add3A_260 = arith.constant 2 : i32
      %add3A_261 = arith.addi %add3A_251, %add3A_260 : i32
      %dma_start3A_262 = arith.constant 0 : i32
      %dma_start3A_263 = tpu.memref_slice %arg8[%add3A_261, %dma_start3A_262] : memref<125x80xi32, #tpu.memory_space<vmem>> -> memref<1x80xi32, #tpu.memory_space<vmem>>
      %dma_start3A_264 = tpu.memref_squeeze %dma_start3A_263 : memref<1x80xi32, #tpu.memory_space<vmem>> -> memref<80xi32, #tpu.memory_space<vmem>>
      %dma_start3A_265 = arith.constant 0 : i32
      %dma_start3A_266 = arith.constant 0 : i32
      %dma_start3A_267 = tpu.memref_slice %arg2[%dma_start3A_265, %dma_start3A_266] : memref<10000x48xf32, #tpu.memory_space<hbm>> -> memref<10000x48xf32, #tpu.memory_space<hbm>>
      tpu.enqueue_indirect_dma source(%dma_start3A_267 : memref<10000x48xf32, #tpu.memory_space<hbm>>) target(%arg13 : memref<80x48xf32, #tpu.memory_space<vmem>>) offsets(%dma_start3A_264 : memref<80xi32, #tpu.memory_space<vmem>>) semaphore(%arg18 : memref<!tpu.dma_semaphore, #tpu.memory_space<semaphore_mem>>)
      %dma_wait3A_268 = arith.constant 0 : i32
      %dma_wait3A_269 = tpu.memref_slice %arg8[%add3A_251, %dma_wait3A_268] : memref<125x80xi32, #tpu.memory_space<vmem>> -> memref<1x80xi32, #tpu.memory_space<vmem>>
      %dma_wait3A_270 = tpu.memref_squeeze %dma_wait3A_269 : memref<1x80xi32, #tpu.memory_space<vmem>> -> memref<80xi32, #tpu.memory_space<vmem>>
      %dma_wait3A_271 = arith.constant 0 : i32
      %dma_wait3A_272 = arith.constant 0 : i32
      %dma_wait3A_273 = tpu.memref_slice %arg2[%dma_wait3A_271, %dma_wait3A_272] : memref<10000x48xf32, #tpu.memory_space<hbm>> -> memref<10000x48xf32, #tpu.memory_space<hbm>>
      tpu.wait_indirect_dma semaphore(%arg16 : memref<!tpu.dma_semaphore, #tpu.memory_space<semaphore_mem>>) src(%dma_wait3A_273 : memref<10000x48xf32, #tpu.memory_space<hbm>>) dst(%arg11 : memref<80x48xf32, #tpu.memory_space<vmem>>)
      %dma_start3A_274 = arith.constant 0 : i32
      %dma_start3A_275 = tpu.memref_slice %arg9[%add3A_251, %dma_start3A_274] : memref<125x80xi32, #tpu.memory_space<vmem>> -> memref<1x80xi32, #tpu.memory_space<vmem>>
      %dma_start3A_276 = tpu.memref_squeeze %dma_start3A_275 : memref<1x80xi32, #tpu.memory_space<vmem>> -> memref<80xi32, #tpu.memory_space<vmem>>
      %dma_start3A_277 = arith.constant 0 : i32
      %dma_start3A_278 = arith.constant 0 : i32
      %dma_start3A_279 = tpu.memref_slice %arg14[%dma_start3A_277, %dma_start3A_278] : memref<10240x48xf32, #tpu.memory_space<vmem_shared>> -> memref<10240x48xf32, #tpu.memory_space<vmem_shared>>
      tpu.enqueue_indirect_dma source(%arg11 : memref<80x48xf32, #tpu.memory_space<vmem>>) target(%dma_start3A_279 : memref<10240x48xf32, #tpu.memory_space<vmem_shared>>) offsets(%dma_start3A_276 : memref<80xi32, #tpu.memory_space<vmem>>) semaphore(%arg16 : memref<!tpu.dma_semaphore, #tpu.memory_space<semaphore_mem>>) {add = true}
    }
    %scan3A_61 = arith.constant 30 : i32
    %dma_wait3A_62 = arith.constant 120 : i32
    %dma_wait3A_63 = arith.constant 0 : i32
    %dma_wait3A_64 = tpu.memref_slice %arg9[%dma_wait3A_62, %dma_wait3A_63] : memref<125x80xi32, #tpu.memory_space<vmem>> -> memref<1x80xi32, #tpu.memory_space<vmem>>
    %dma_wait3A_65 = tpu.memref_squeeze %dma_wait3A_64 : memref<1x80xi32, #tpu.memory_space<vmem>> -> memref<80xi32, #tpu.memory_space<vmem>>
    %dma_wait3A_66 = arith.constant 0 : i32
    %dma_wait3A_67 = arith.constant 0 : i32
    %dma_wait3A_68 = tpu.memref_slice %arg14[%dma_wait3A_66, %dma_wait3A_67] : memref<10240x48xf32, #tpu.memory_space<vmem_shared>> -> memref<10240x48xf32, #tpu.memory_space<vmem_shared>>
    tpu.wait_indirect_dma semaphore(%arg15 : memref<!tpu.dma_semaphore, #tpu.memory_space<semaphore_mem>>) src(%arg10 : memref<80x48xf32, #tpu.memory_space<vmem>>) dst(%dma_wait3A_68 : memref<10240x48xf32, #tpu.memory_space<vmem_shared>>)
    %dma_start3A_69 = arith.constant 124 : i32
    %dma_start3A_70 = arith.constant 0 : i32
    %dma_start3A_71 = tpu.memref_slice %arg8[%dma_start3A_69, %dma_start3A_70] : memref<125x80xi32, #tpu.memory_space<vmem>> -> memref<1x80xi32, #tpu.memory_space<vmem>>
    %dma_start3A_72 = tpu.memref_squeeze %dma_start3A_71 : memref<1x80xi32, #tpu.memory_space<vmem>> -> memref<80xi32, #tpu.memory_space<vmem>>
    %dma_start3A_73 = arith.constant 0 : i32
    %dma_start3A_74 = arith.constant 0 : i32
    %dma_start3A_75 = tpu.memref_slice %arg2[%dma_start3A_73, %dma_start3A_74] : memref<10000x48xf32, #tpu.memory_space<hbm>> -> memref<10000x48xf32, #tpu.memory_space<hbm>>
    tpu.enqueue_indirect_dma source(%dma_start3A_75 : memref<10000x48xf32, #tpu.memory_space<hbm>>) target(%arg10 : memref<80x48xf32, #tpu.memory_space<vmem>>) offsets(%dma_start3A_72 : memref<80xi32, #tpu.memory_space<vmem>>) semaphore(%arg15 : memref<!tpu.dma_semaphore, #tpu.memory_space<semaphore_mem>>)
    %dma_wait3A_76 = arith.constant 122 : i32
    %dma_wait3A_77 = arith.constant 0 : i32
    %dma_wait3A_78 = tpu.memref_slice %arg8[%dma_wait3A_76, %dma_wait3A_77] : memref<125x80xi32, #tpu.memory_space<vmem>> -> memref<1x80xi32, #tpu.memory_space<vmem>>
    %dma_wait3A_79 = tpu.memref_squeeze %dma_wait3A_78 : memref<1x80xi32, #tpu.memory_space<vmem>> -> memref<80xi32, #tpu.memory_space<vmem>>
    %dma_wait3A_80 = arith.constant 0 : i32
    %dma_wait3A_81 = arith.constant 0 : i32
    %dma_wait3A_82 = tpu.memref_slice %arg2[%dma_wait3A_80, %dma_wait3A_81] : memref<10000x48xf32, #tpu.memory_space<hbm>> -> memref<10000x48xf32, #tpu.memory_space<hbm>>
    tpu.wait_indirect_dma semaphore(%arg17 : memref<!tpu.dma_semaphore, #tpu.memory_space<semaphore_mem>>) src(%dma_wait3A_82 : memref<10000x48xf32, #tpu.memory_space<hbm>>) dst(%arg12 : memref<80x48xf32, #tpu.memory_space<vmem>>)
    %dma_start3A_83 = arith.constant 122 : i32
    %dma_start3A_84 = arith.constant 0 : i32
    %dma_start3A_85 = tpu.memref_slice %arg9[%dma_start3A_83, %dma_start3A_84] : memref<125x80xi32, #tpu.memory_space<vmem>> -> memref<1x80xi32, #tpu.memory_space<vmem>>
    %dma_start3A_86 = tpu.memref_squeeze %dma_start3A_85 : memref<1x80xi32, #tpu.memory_space<vmem>> -> memref<80xi32, #tpu.memory_space<vmem>>
    %dma_start3A_87 = arith.constant 0 : i32
    %dma_start3A_88 = arith.constant 0 : i32
    %dma_start3A_89 = tpu.memref_slice %arg14[%dma_start3A_87, %dma_start3A_88] : memref<10240x48xf32, #tpu.memory_space<vmem_shared>> -> memref<10240x48xf32, #tpu.memory_space<vmem_shared>>
    tpu.enqueue_indirect_dma source(%arg12 : memref<80x48xf32, #tpu.memory_space<vmem>>) target(%dma_start3A_89 : memref<10240x48xf32, #tpu.memory_space<vmem_shared>>) offsets(%dma_start3A_86 : memref<80xi32, #tpu.memory_space<vmem>>) semaphore(%arg17 : memref<!tpu.dma_semaphore, #tpu.memory_space<semaphore_mem>>) {add = true}
    %dma_wait3A_90 = arith.constant 121 : i32
    %dma_wait3A_91 = arith.constant 0 : i32
    %dma_wait3A_92 = tpu.memref_slice %arg9[%dma_wait3A_90, %dma_wait3A_91] : memref<125x80xi32, #tpu.memory_space<vmem>> -> memref<1x80xi32, #tpu.memory_space<vmem>>
    %dma_wait3A_93 = tpu.memref_squeeze %dma_wait3A_92 : memref<1x80xi32, #tpu.memory_space<vmem>> -> memref<80xi32, #tpu.memory_space<vmem>>
    %dma_wait3A_94 = arith.constant 0 : i32
    %dma_wait3A_95 = arith.constant 0 : i32
    %dma_wait3A_96 = tpu.memref_slice %arg14[%dma_wait3A_94, %dma_wait3A_95] : memref<10240x48xf32, #tpu.memory_space<vmem_shared>> -> memref<10240x48xf32, #tpu.memory_space<vmem_shared>>
    tpu.wait_indirect_dma semaphore(%arg16 : memref<!tpu.dma_semaphore, #tpu.memory_space<semaphore_mem>>) src(%arg11 : memref<80x48xf32, #tpu.memory_space<vmem>>) dst(%dma_wait3A_96 : memref<10240x48xf32, #tpu.memory_space<vmem_shared>>)
    %dma_wait3A_97 = arith.constant 123 : i32
    %dma_wait3A_98 = arith.constant 0 : i32
    %dma_wait3A_99 = tpu.memref_slice %arg8[%dma_wait3A_97, %dma_wait3A_98] : memref<125x80xi32, #tpu.memory_space<vmem>> -> memref<1x80xi32, #tpu.memory_space<vmem>>
    %dma_wait3A_100 = tpu.memref_squeeze %dma_wait3A_99 : memref<1x80xi32, #tpu.memory_space<vmem>> -> memref<80xi32, #tpu.memory_space<vmem>>
    %dma_wait3A_101 = arith.constant 0 : i32
    %dma_wait3A_102 = arith.constant 0 : i32
    %dma_wait3A_103 = tpu.memref_slice %arg2[%dma_wait3A_101, %dma_wait3A_102] : memref<10000x48xf32, #tpu.memory_space<hbm>> -> memref<10000x48xf32, #tpu.memory_space<hbm>>
    tpu.wait_indirect_dma semaphore(%arg18 : memref<!tpu.dma_semaphore, #tpu.memory_space<semaphore_mem>>) src(%dma_wait3A_103 : memref<10000x48xf32, #tpu.memory_space<hbm>>) dst(%arg13 : memref<80x48xf32, #tpu.memory_space<vmem>>)
    %dma_start3A_104 = arith.constant 123 : i32
    %dma_start3A_105 = arith.constant 0 : i32
    %dma_start3A_106 = tpu.memref_slice %arg9[%dma_start3A_104, %dma_start3A_105] : memref<125x80xi32, #tpu.memory_space<vmem>> -> memref<1x80xi32, #tpu.memory_space<vmem>>
    %dma_start3A_107 = tpu.memref_squeeze %dma_start3A_106 : memref<1x80xi32, #tpu.memory_space<vmem>> -> memref<80xi32, #tpu.memory_space<vmem>>
    %dma_start3A_108 = arith.constant 0 : i32
    %dma_start3A_109 = arith.constant 0 : i32
    %dma_start3A_110 = tpu.memref_slice %arg14[%dma_start3A_108, %dma_start3A_109] : memref<10240x48xf32, #tpu.memory_space<vmem_shared>> -> memref<10240x48xf32, #tpu.memory_space<vmem_shared>>
    tpu.enqueue_indirect_dma source(%arg13 : memref<80x48xf32, #tpu.memory_space<vmem>>) target(%dma_start3A_110 : memref<10240x48xf32, #tpu.memory_space<vmem_shared>>) offsets(%dma_start3A_107 : memref<80xi32, #tpu.memory_space<vmem>>) semaphore(%arg18 : memref<!tpu.dma_semaphore, #tpu.memory_space<semaphore_mem>>) {add = true}
    %dma_wait3A_111 = arith.constant 124 : i32
    %dma_wait3A_112 = arith.constant 0 : i32
    %dma_wait3A_113 = tpu.memref_slice %arg8[%dma_wait3A_111, %dma_wait3A_112] : memref<125x80xi32, #tpu.memory_space<vmem>> -> memref<1x80xi32, #tpu.memory_space<vmem>>
    %dma_wait3A_114 = tpu.memref_squeeze %dma_wait3A_113 : memref<1x80xi32, #tpu.memory_space<vmem>> -> memref<80xi32, #tpu.memory_space<vmem>>
    %dma_wait3A_115 = arith.constant 0 : i32
    %dma_wait3A_116 = arith.constant 0 : i32
    %dma_wait3A_117 = tpu.memref_slice %arg2[%dma_wait3A_115, %dma_wait3A_116] : memref<10000x48xf32, #tpu.memory_space<hbm>> -> memref<10000x48xf32, #tpu.memory_space<hbm>>
    tpu.wait_indirect_dma semaphore(%arg15 : memref<!tpu.dma_semaphore, #tpu.memory_space<semaphore_mem>>) src(%dma_wait3A_117 : memref<10000x48xf32, #tpu.memory_space<hbm>>) dst(%arg10 : memref<80x48xf32, #tpu.memory_space<vmem>>)
    %dma_start3A_118 = arith.constant 124 : i32
    %dma_start3A_119 = arith.constant 0 : i32
    %dma_start3A_120 = tpu.memref_slice %arg9[%dma_start3A_118, %dma_start3A_119] : memref<125x80xi32, #tpu.memory_space<vmem>> -> memref<1x80xi32, #tpu.memory_space<vmem>>
    %dma_start3A_121 = tpu.memref_squeeze %dma_start3A_120 : memref<1x80xi32, #tpu.memory_space<vmem>> -> memref<80xi32, #tpu.memory_space<vmem>>
    %dma_start3A_122 = arith.constant 0 : i32
    %dma_start3A_123 = arith.constant 0 : i32
    %dma_start3A_124 = tpu.memref_slice %arg14[%dma_start3A_122, %dma_start3A_123] : memref<10240x48xf32, #tpu.memory_space<vmem_shared>> -> memref<10240x48xf32, #tpu.memory_space<vmem_shared>>
    tpu.enqueue_indirect_dma source(%arg10 : memref<80x48xf32, #tpu.memory_space<vmem>>) target(%dma_start3A_124 : memref<10240x48xf32, #tpu.memory_space<vmem_shared>>) offsets(%dma_start3A_121 : memref<80xi32, #tpu.memory_space<vmem>>) semaphore(%arg15 : memref<!tpu.dma_semaphore, #tpu.memory_space<semaphore_mem>>) {add = true}
    %dma_wait3A_125 = arith.constant 122 : i32
    %dma_wait3A_126 = arith.constant 0 : i32
    %dma_wait3A_127 = tpu.memref_slice %arg9[%dma_wait3A_125, %dma_wait3A_126] : memref<125x80xi32, #tpu.memory_space<vmem>> -> memref<1x80xi32, #tpu.memory_space<vmem>>
    %dma_wait3A_128 = tpu.memref_squeeze %dma_wait3A_127 : memref<1x80xi32, #tpu.memory_space<vmem>> -> memref<80xi32, #tpu.memory_space<vmem>>
    %dma_wait3A_129 = arith.constant 0 : i32
    %dma_wait3A_130 = arith.constant 0 : i32
    %dma_wait3A_131 = tpu.memref_slice %arg14[%dma_wait3A_129, %dma_wait3A_130] : memref<10240x48xf32, #tpu.memory_space<vmem_shared>> -> memref<10240x48xf32, #tpu.memory_space<vmem_shared>>
    tpu.wait_indirect_dma semaphore(%arg17 : memref<!tpu.dma_semaphore, #tpu.memory_space<semaphore_mem>>) src(%arg12 : memref<80x48xf32, #tpu.memory_space<vmem>>) dst(%dma_wait3A_131 : memref<10240x48xf32, #tpu.memory_space<vmem_shared>>)
    %dma_wait3A_132 = arith.constant 123 : i32
    %dma_wait3A_133 = arith.constant 0 : i32
    %dma_wait3A_134 = tpu.memref_slice %arg9[%dma_wait3A_132, %dma_wait3A_133] : memref<125x80xi32, #tpu.memory_space<vmem>> -> memref<1x80xi32, #tpu.memory_space<vmem>>
    %dma_wait3A_135 = tpu.memref_squeeze %dma_wait3A_134 : memref<1x80xi32, #tpu.memory_space<vmem>> -> memref<80xi32, #tpu.memory_space<vmem>>
    %dma_wait3A_136 = arith.constant 0 : i32
    %dma_wait3A_137 = arith.constant 0 : i32
    %dma_wait3A_138 = tpu.memref_slice %arg14[%dma_wait3A_136, %dma_wait3A_137] : memref<10240x48xf32, #tpu.memory_space<vmem_shared>> -> memref<10240x48xf32, #tpu.memory_space<vmem_shared>>
    tpu.wait_indirect_dma semaphore(%arg18 : memref<!tpu.dma_semaphore, #tpu.memory_space<semaphore_mem>>) src(%arg13 : memref<80x48xf32, #tpu.memory_space<vmem>>) dst(%dma_wait3A_138 : memref<10240x48xf32, #tpu.memory_space<vmem_shared>>)
    %dma_wait3A_139 = arith.constant 124 : i32
    %dma_wait3A_140 = arith.constant 0 : i32
    %dma_wait3A_141 = tpu.memref_slice %arg9[%dma_wait3A_139, %dma_wait3A_140] : memref<125x80xi32, #tpu.memory_space<vmem>> -> memref<1x80xi32, #tpu.memory_space<vmem>>
    %dma_wait3A_142 = tpu.memref_squeeze %dma_wait3A_141 : memref<1x80xi32, #tpu.memory_space<vmem>> -> memref<80xi32, #tpu.memory_space<vmem>>
    %dma_wait3A_143 = arith.constant 0 : i32
    %dma_wait3A_144 = arith.constant 0 : i32
    %dma_wait3A_145 = tpu.memref_slice %arg14[%dma_wait3A_143, %dma_wait3A_144] : memref<10240x48xf32, #tpu.memory_space<vmem_shared>> -> memref<10240x48xf32, #tpu.memory_space<vmem_shared>>
    tpu.wait_indirect_dma semaphore(%arg15 : memref<!tpu.dma_semaphore, #tpu.memory_space<semaphore_mem>>) src(%arg10 : memref<80x48xf32, #tpu.memory_space<vmem>>) dst(%dma_wait3A_145 : memref<10240x48xf32, #tpu.memory_space<vmem_shared>>)
    %barrier3A_146 = arith.constant 0 : index
    tpu.barrier barrier_id(%barrier3A_146)
    %mul3A_147 = arith.constant 640 : i32
    %mul3A_148 = arith.muli %arg1, %mul3A_147 : i32
    %eq3A = arith.constant 0 : i32
    %eq3A_149 = arith.cmpi eq, %arg0, %eq3A : i32
    %convert_element_type3A = arith.extui %eq3A_149 : i1 to i32
    %cond3A = arith.constant 0 : i32
    %cond3A_150 = arith.cmpi ne, %convert_element_type3A, %cond3A : i32
    scf.if %cond3A_150 {
      "tpu.region"() ({
        %run_scoped3A = tpu.sem_alloc : memref<!tpu.dma_semaphore, #tpu.memory_space<semaphore_mem>>
        %dma_start3A_156 = arith.constant 0 : i32
        %dma_start3A_157 = tpu.memref_slice %arg6[%mul3A_148, %dma_start3A_156] : memref<10240x48xf32, #tpu.memory_space<hbm>> -> memref<640x48xf32, #tpu.memory_space<hbm>>
        %dma_start3A_158 = arith.constant 0 : i32
        %dma_start3A_159 = tpu.memref_slice %arg14[%mul3A_148, %dma_start3A_158] : memref<10240x48xf32, #tpu.memory_space<vmem_shared>> -> memref<640x48xf32, #tpu.memory_space<vmem_shared>>
        tpu.enqueue_dma source(%dma_start3A_159 : memref<640x48xf32, #tpu.memory_space<vmem_shared>>) target(%dma_start3A_157 : memref<640x48xf32, #tpu.memory_space<hbm>>) target_semaphore(%run_scoped3A : memref<!tpu.dma_semaphore, #tpu.memory_space<semaphore_mem>>)
        %dma_wait3A_160 = arith.constant 0 : i32
        %dma_wait3A_161 = tpu.memref_slice %arg6[%mul3A_148, %dma_wait3A_160] : memref<10240x48xf32, #tpu.memory_space<hbm>> -> memref<640x48xf32, #tpu.memory_space<hbm>>
        %dma_wait3A_162 = arith.constant 0 : i32
        %dma_wait3A_163 = tpu.memref_slice %arg14[%mul3A_148, %dma_wait3A_162] : memref<10240x48xf32, #tpu.memory_space<vmem_shared>> -> memref<640x48xf32, #tpu.memory_space<vmem_shared>>
        tpu.wait_dma2 semaphore(%run_scoped3A : memref<!tpu.dma_semaphore, #tpu.memory_space<semaphore_mem>>) src(%dma_wait3A_163 : memref<640x48xf32, #tpu.memory_space<vmem_shared>>) dst(%dma_wait3A_161 : memref<640x48xf32, #tpu.memory_space<hbm>>)
        tpu.yield
      }) : () -> ()
    } else {
    }
    %eq3A_151 = arith.constant 1 : i32
    %eq3A_152 = arith.cmpi eq, %arg0, %eq3A_151 : i32
    %convert_element_type3A_153 = arith.extui %eq3A_152 : i1 to i32
    %cond3A_154 = arith.constant 0 : i32
    %cond3A_155 = arith.cmpi ne, %convert_element_type3A_153, %cond3A_154 : i32
    scf.if %cond3A_155 {
      "tpu.region"() ({
        %run_scoped3A = tpu.sem_alloc : memref<!tpu.dma_semaphore, #tpu.memory_space<semaphore_mem>>
        %dma_start3A_156 = arith.constant 0 : i32
        %dma_start3A_157 = tpu.memref_slice %arg7[%mul3A_148, %dma_start3A_156] : memref<10240x48xf32, #tpu.memory_space<hbm>> -> memref<640x48xf32, #tpu.memory_space<hbm>>
        %dma_start3A_158 = arith.constant 0 : i32
        %dma_start3A_159 = tpu.memref_slice %arg14[%mul3A_148, %dma_start3A_158] : memref<10240x48xf32, #tpu.memory_space<vmem_shared>> -> memref<640x48xf32, #tpu.memory_space<vmem_shared>>
        tpu.enqueue_dma source(%dma_start3A_159 : memref<640x48xf32, #tpu.memory_space<vmem_shared>>) target(%dma_start3A_157 : memref<640x48xf32, #tpu.memory_space<hbm>>) target_semaphore(%run_scoped3A : memref<!tpu.dma_semaphore, #tpu.memory_space<semaphore_mem>>)
        %dma_wait3A_160 = arith.constant 0 : i32
        %dma_wait3A_161 = tpu.memref_slice %arg7[%mul3A_148, %dma_wait3A_160] : memref<10240x48xf32, #tpu.memory_space<hbm>> -> memref<640x48xf32, #tpu.memory_space<hbm>>
        %dma_wait3A_162 = arith.constant 0 : i32
        %dma_wait3A_163 = tpu.memref_slice %arg14[%mul3A_148, %dma_wait3A_162] : memref<10240x48xf32, #tpu.memory_space<vmem_shared>> -> memref<640x48xf32, #tpu.memory_space<vmem_shared>>
        tpu.wait_dma2 semaphore(%run_scoped3A : memref<!tpu.dma_semaphore, #tpu.memory_space<semaphore_mem>>) src(%dma_wait3A_163 : memref<640x48xf32, #tpu.memory_space<vmem_shared>>) dst(%dma_wait3A_161 : memref<640x48xf32, #tpu.memory_space<hbm>>)
        tpu.yield
      }) : () -> ()
    } else {
    }
    return
  }
}

#map = affine_map<(d0, d1) -> (0, 0)>
#map1 = affine_map<(d0, d1) -> (0, 0, 0)>
module attributes {stable_mosaic.version = 14 : i64} {
  func.func @k(%arg0: i32, %arg1: i32, %arg2: memref<10000x64xf32, #tpu.memory_space<hbm>>, %arg3: memref<32x125x80xi32, #tpu.memory_space<hbm>>, %arg4: memref<32x125x80xi32, #tpu.memory_space<hbm>>, %arg5: memref<16x640x64xf32, #tpu.memory_space<hbm>>, %arg6: memref<10240x64xf32, #tpu.memory_space<hbm>>, %arg7: memref<10240x64xf32, #tpu.memory_space<hbm>>, %arg8: memref<125x80xi32, #tpu.memory_space<vmem>>, %arg9: memref<125x80xi32, #tpu.memory_space<vmem>>, %arg10: memref<80x64xf32, #tpu.memory_space<vmem>>, %arg11: memref<80x64xf32, #tpu.memory_space<vmem>>, %arg12: memref<80x64xf32, #tpu.memory_space<vmem>>, %arg13: memref<80x64xf32, #tpu.memory_space<vmem>>, %arg14: memref<10240x64xf32, #tpu.memory_space<vmem_shared>>, %arg15: memref<!tpu.dma_semaphore, #tpu.memory_space<semaphore_mem>>, %arg16: memref<!tpu.dma_semaphore, #tpu.memory_space<semaphore_mem>>, %arg17: memref<!tpu.dma_semaphore, #tpu.memory_space<semaphore_mem>>, %arg18: memref<!tpu.dma_semaphore, #tpu.memory_space<semaphore_mem>>) attributes {dimension_semantics = [#tpu.dimension_semantics<core_parallel>, #tpu.dimension_semantics<subcore_parallel>], iteration_bounds = array<i64: 2, 16>, scalar_prefetch = 0 : i64, scratch_operands = 11 : i64, tpu.core_type = #tpu.core_type<sc_vector_subcore>, window_params = [{transform_indices = #map}, {transform_indices = #map1}, {transform_indices = #map1}, {transform_indices = #map1}, {transform_indices = #map}, {transform_indices = #map}]} {
    %mul3A = arith.constant 2 : i32
    %mul3A_0 = arith.muli %arg1, %mul3A : i32
    %add3A = arith.addi %mul3A_0, %arg0 : i32
    "tpu.region"() ({
      %run_scoped3A = tpu.sem_alloc : memref<!tpu.dma_semaphore, #tpu.memory_space<semaphore_mem>>
      %dma_start3A_156 = arith.constant 0 : i32
      %dma_start3A_157 = arith.constant 0 : i32
      %dma_start3A_158 = tpu.memref_slice %arg3[%add3A, %dma_start3A_156, %dma_start3A_157] : memref<32x125x80xi32, #tpu.memory_space<hbm>> -> memref<1x125x80xi32, #tpu.memory_space<hbm>>
      %dma_start3A_159 = tpu.memref_squeeze %dma_start3A_158 : memref<1x125x80xi32, #tpu.memory_space<hbm>> -> memref<125x80xi32, #tpu.memory_space<hbm>>
      %dma_start3A_160 = arith.constant 0 : i32
      %dma_start3A_161 = arith.constant 0 : i32
      %dma_start3A_162 = tpu.memref_slice %arg3[%add3A, %dma_start3A_160, %dma_start3A_161] : memref<32x125x80xi32, #tpu.memory_space<hbm>> -> memref<1x125x80xi32, #tpu.memory_space<hbm>>
      %dma_start3A_163 = tpu.memref_squeeze %dma_start3A_162 : memref<1x125x80xi32, #tpu.memory_space<hbm>> -> memref<125x80xi32, #tpu.memory_space<hbm>>
      tpu.enqueue_dma source(%dma_start3A_163 : memref<125x80xi32, #tpu.memory_space<hbm>>) target(%arg8 : memref<125x80xi32, #tpu.memory_space<vmem>>) target_semaphore(%run_scoped3A : memref<!tpu.dma_semaphore, #tpu.memory_space<semaphore_mem>>)
      %dma_wait3A_164 = arith.constant 0 : i32
      %dma_wait3A_165 = arith.constant 0 : i32
      %dma_wait3A_166 = tpu.memref_slice %arg3[%add3A, %dma_wait3A_164, %dma_wait3A_165] : memref<32x125x80xi32, #tpu.memory_space<hbm>> -> memref<1x125x80xi32, #tpu.memory_space<hbm>>
      %dma_wait3A_167 = tpu.memref_squeeze %dma_wait3A_166 : memref<1x125x80xi32, #tpu.memory_space<hbm>> -> memref<125x80xi32, #tpu.memory_space<hbm>>
      %dma_wait3A_168 = arith.constant 0 : i32
      %dma_wait3A_169 = arith.constant 0 : i32
      %dma_wait3A_170 = tpu.memref_slice %arg3[%add3A, %dma_wait3A_168, %dma_wait3A_169] : memref<32x125x80xi32, #tpu.memory_space<hbm>> -> memref<1x125x80xi32, #tpu.memory_space<hbm>>
      %dma_wait3A_171 = tpu.memref_squeeze %dma_wait3A_170 : memref<1x125x80xi32, #tpu.memory_space<hbm>> -> memref<125x80xi32, #tpu.memory_space<hbm>>
      tpu.wait_dma2 semaphore(%run_scoped3A : memref<!tpu.dma_semaphore, #tpu.memory_space<semaphore_mem>>) src(%dma_wait3A_171 : memref<125x80xi32, #tpu.memory_space<hbm>>) dst(%arg8 : memref<125x80xi32, #tpu.memory_space<vmem>>)
      tpu.yield
    }) : () -> ()
    "tpu.region"() ({
      %run_scoped3A = tpu.sem_alloc : memref<!tpu.dma_semaphore, #tpu.memory_space<semaphore_mem>>
      %dma_start3A_156 = arith.constant 0 : i32
      %dma_start3A_157 = arith.constant 0 : i32
      %dma_start3A_158 = tpu.memref_slice %arg4[%add3A, %dma_start3A_156, %dma_start3A_157] : memref<32x125x80xi32, #tpu.memory_space<hbm>> -> memref<1x125x80xi32, #tpu.memory_space<hbm>>
      %dma_start3A_159 = tpu.memref_squeeze %dma_start3A_158 : memref<1x125x80xi32, #tpu.memory_space<hbm>> -> memref<125x80xi32, #tpu.memory_space<hbm>>
      %dma_start3A_160 = arith.constant 0 : i32
      %dma_start3A_161 = arith.constant 0 : i32
      %dma_start3A_162 = tpu.memref_slice %arg4[%add3A, %dma_start3A_160, %dma_start3A_161] : memref<32x125x80xi32, #tpu.memory_space<hbm>> -> memref<1x125x80xi32, #tpu.memory_space<hbm>>
      %dma_start3A_163 = tpu.memref_squeeze %dma_start3A_162 : memref<1x125x80xi32, #tpu.memory_space<hbm>> -> memref<125x80xi32, #tpu.memory_space<hbm>>
      tpu.enqueue_dma source(%dma_start3A_163 : memref<125x80xi32, #tpu.memory_space<hbm>>) target(%arg9 : memref<125x80xi32, #tpu.memory_space<vmem>>) target_semaphore(%run_scoped3A : memref<!tpu.dma_semaphore, #tpu.memory_space<semaphore_mem>>)
      %dma_wait3A_164 = arith.constant 0 : i32
      %dma_wait3A_165 = arith.constant 0 : i32
      %dma_wait3A_166 = tpu.memref_slice %arg4[%add3A, %dma_wait3A_164, %dma_wait3A_165] : memref<32x125x80xi32, #tpu.memory_space<hbm>> -> memref<1x125x80xi32, #tpu.memory_space<hbm>>
      %dma_wait3A_167 = tpu.memref_squeeze %dma_wait3A_166 : memref<1x125x80xi32, #tpu.memory_space<hbm>> -> memref<125x80xi32, #tpu.memory_space<hbm>>
      %dma_wait3A_168 = arith.constant 0 : i32
      %dma_wait3A_169 = arith.constant 0 : i32
      %dma_wait3A_170 = tpu.memref_slice %arg4[%add3A, %dma_wait3A_168, %dma_wait3A_169] : memref<32x125x80xi32, #tpu.memory_space<hbm>> -> memref<1x125x80xi32, #tpu.memory_space<hbm>>
      %dma_wait3A_171 = tpu.memref_squeeze %dma_wait3A_170 : memref<1x125x80xi32, #tpu.memory_space<hbm>> -> memref<125x80xi32, #tpu.memory_space<hbm>>
      tpu.wait_dma2 semaphore(%run_scoped3A : memref<!tpu.dma_semaphore, #tpu.memory_space<semaphore_mem>>) src(%dma_wait3A_171 : memref<125x80xi32, #tpu.memory_space<hbm>>) dst(%arg9 : memref<125x80xi32, #tpu.memory_space<vmem>>)
      tpu.yield
    }) : () -> ()
    %mul3A_1 = arith.constant 640 : i32
    %mul3A_2 = arith.muli %arg1, %mul3A_1 : i32
    "tpu.region"() ({
      %run_scoped3A = tpu.sem_alloc : memref<!tpu.dma_semaphore, #tpu.memory_space<semaphore_mem>>
      %dma_start3A_156 = arith.constant 0 : i32
      %dma_start3A_157 = tpu.memref_slice %arg14[%mul3A_2, %dma_start3A_156] : memref<10240x64xf32, #tpu.memory_space<vmem_shared>> -> memref<640x64xf32, #tpu.memory_space<vmem_shared>>
      %dma_start3A_158 = arith.constant 0 : i32
      %dma_start3A_159 = arith.constant 0 : i32
      %dma_start3A_160 = tpu.memref_slice %arg5[%arg1, %dma_start3A_158, %dma_start3A_159] : memref<16x640x64xf32, #tpu.memory_space<hbm>> -> memref<1x640x64xf32, #tpu.memory_space<hbm>>
      %dma_start3A_161 = tpu.memref_squeeze %dma_start3A_160 : memref<1x640x64xf32, #tpu.memory_space<hbm>> -> memref<640x64xf32, #tpu.memory_space<hbm>>
      tpu.enqueue_dma source(%dma_start3A_161 : memref<640x64xf32, #tpu.memory_space<hbm>>) target(%dma_start3A_157 : memref<640x64xf32, #tpu.memory_space<vmem_shared>>) target_semaphore(%run_scoped3A : memref<!tpu.dma_semaphore, #tpu.memory_space<semaphore_mem>>)
      %dma_wait3A_162 = arith.constant 0 : i32
      %dma_wait3A_163 = tpu.memref_slice %arg14[%mul3A_2, %dma_wait3A_162] : memref<10240x64xf32, #tpu.memory_space<vmem_shared>> -> memref<640x64xf32, #tpu.memory_space<vmem_shared>>
      %dma_wait3A_164 = arith.constant 0 : i32
      %dma_wait3A_165 = arith.constant 0 : i32
      %dma_wait3A_166 = tpu.memref_slice %arg5[%arg1, %dma_wait3A_164, %dma_wait3A_165] : memref<16x640x64xf32, #tpu.memory_space<hbm>> -> memref<1x640x64xf32, #tpu.memory_space<hbm>>
      %dma_wait3A_167 = tpu.memref_squeeze %dma_wait3A_166 : memref<1x640x64xf32, #tpu.memory_space<hbm>> -> memref<640x64xf32, #tpu.memory_space<hbm>>
      tpu.wait_dma2 semaphore(%run_scoped3A : memref<!tpu.dma_semaphore, #tpu.memory_space<semaphore_mem>>) src(%dma_wait3A_167 : memref<640x64xf32, #tpu.memory_space<hbm>>) dst(%dma_wait3A_163 : memref<640x64xf32, #tpu.memory_space<vmem_shared>>)
      tpu.yield
    }) : () -> ()
    %barrier3A = arith.constant 0 : index
    tpu.barrier barrier_id(%barrier3A)
    %dma_start3A = arith.constant 0 : i32
    %dma_start3A_3 = arith.constant 0 : i32
    %dma_start3A_4 = tpu.memref_slice %arg8[%dma_start3A, %dma_start3A_3] : memref<125x80xi32, #tpu.memory_space<vmem>> -> memref<1x80xi32, #tpu.memory_space<vmem>>
    %dma_start3A_5 = tpu.memref_squeeze %dma_start3A_4 : memref<1x80xi32, #tpu.memory_space<vmem>> -> memref<80xi32, #tpu.memory_space<vmem>>
    %dma_start3A_6 = arith.constant 0 : i32
    %dma_start3A_7 = arith.constant 0 : i32
    %dma_start3A_8 = tpu.memref_slice %arg2[%dma_start3A_6, %dma_start3A_7] : memref<10000x64xf32, #tpu.memory_space<hbm>> -> memref<10000x64xf32, #tpu.memory_space<hbm>>
    tpu.enqueue_indirect_dma source(%dma_start3A_8 : memref<10000x64xf32, #tpu.memory_space<hbm>>) target(%arg10 : memref<80x64xf32, #tpu.memory_space<vmem>>) offsets(%dma_start3A_5 : memref<80xi32, #tpu.memory_space<vmem>>) semaphore(%arg15 : memref<!tpu.dma_semaphore, #tpu.memory_space<semaphore_mem>>)
    %dma_start3A_9 = arith.constant 1 : i32
    %dma_start3A_10 = arith.constant 0 : i32
    %dma_start3A_11 = tpu.memref_slice %arg8[%dma_start3A_9, %dma_start3A_10] : memref<125x80xi32, #tpu.memory_space<vmem>> -> memref<1x80xi32, #tpu.memory_space<vmem>>
    %dma_start3A_12 = tpu.memref_squeeze %dma_start3A_11 : memref<1x80xi32, #tpu.memory_space<vmem>> -> memref<80xi32, #tpu.memory_space<vmem>>
    %dma_start3A_13 = arith.constant 0 : i32
    %dma_start3A_14 = arith.constant 0 : i32
    %dma_start3A_15 = tpu.memref_slice %arg2[%dma_start3A_13, %dma_start3A_14] : memref<10000x64xf32, #tpu.memory_space<hbm>> -> memref<10000x64xf32, #tpu.memory_space<hbm>>
    tpu.enqueue_indirect_dma source(%dma_start3A_15 : memref<10000x64xf32, #tpu.memory_space<hbm>>) target(%arg11 : memref<80x64xf32, #tpu.memory_space<vmem>>) offsets(%dma_start3A_12 : memref<80xi32, #tpu.memory_space<vmem>>) semaphore(%arg16 : memref<!tpu.dma_semaphore, #tpu.memory_space<semaphore_mem>>)
    %dma_start3A_16 = arith.constant 2 : i32
    %dma_start3A_17 = arith.constant 0 : i32
    %dma_start3A_18 = tpu.memref_slice %arg8[%dma_start3A_16, %dma_start3A_17] : memref<125x80xi32, #tpu.memory_space<vmem>> -> memref<1x80xi32, #tpu.memory_space<vmem>>
    %dma_start3A_19 = tpu.memref_squeeze %dma_start3A_18 : memref<1x80xi32, #tpu.memory_space<vmem>> -> memref<80xi32, #tpu.memory_space<vmem>>
    %dma_start3A_20 = arith.constant 0 : i32
    %dma_start3A_21 = arith.constant 0 : i32
    %dma_start3A_22 = tpu.memref_slice %arg2[%dma_start3A_20, %dma_start3A_21] : memref<10000x64xf32, #tpu.memory_space<hbm>> -> memref<10000x64xf32, #tpu.memory_space<hbm>>
    tpu.enqueue_indirect_dma source(%dma_start3A_22 : memref<10000x64xf32, #tpu.memory_space<hbm>>) target(%arg12 : memref<80x64xf32, #tpu.memory_space<vmem>>) offsets(%dma_start3A_19 : memref<80xi32, #tpu.memory_space<vmem>>) semaphore(%arg17 : memref<!tpu.dma_semaphore, #tpu.memory_space<semaphore_mem>>)
    %dma_wait3A = arith.constant 0 : i32
    %dma_wait3A_23 = arith.constant 0 : i32
    %dma_wait3A_24 = tpu.memref_slice %arg8[%dma_wait3A, %dma_wait3A_23] : memref<125x80xi32, #tpu.memory_space<vmem>> -> memref<1x80xi32, #tpu.memory_space<vmem>>
    %dma_wait3A_25 = tpu.memref_squeeze %dma_wait3A_24 : memref<1x80xi32, #tpu.memory_space<vmem>> -> memref<80xi32, #tpu.memory_space<vmem>>
    %dma_wait3A_26 = arith.constant 0 : i32
    %dma_wait3A_27 = arith.constant 0 : i32
    %dma_wait3A_28 = tpu.memref_slice %arg2[%dma_wait3A_26, %dma_wait3A_27] : memref<10000x64xf32, #tpu.memory_space<hbm>> -> memref<10000x64xf32, #tpu.memory_space<hbm>>
    tpu.wait_indirect_dma semaphore(%arg15 : memref<!tpu.dma_semaphore, #tpu.memory_space<semaphore_mem>>) src(%dma_wait3A_28 : memref<10000x64xf32, #tpu.memory_space<hbm>>) dst(%arg10 : memref<80x64xf32, #tpu.memory_space<vmem>>)
    %dma_start3A_29 = arith.constant 0 : i32
    %dma_start3A_30 = arith.constant 0 : i32
    %dma_start3A_31 = tpu.memref_slice %arg9[%dma_start3A_29, %dma_start3A_30] : memref<125x80xi32, #tpu.memory_space<vmem>> -> memref<1x80xi32, #tpu.memory_space<vmem>>
    %dma_start3A_32 = tpu.memref_squeeze %dma_start3A_31 : memref<1x80xi32, #tpu.memory_space<vmem>> -> memref<80xi32, #tpu.memory_space<vmem>>
    %dma_start3A_33 = arith.constant 0 : i32
    %dma_start3A_34 = arith.constant 0 : i32
    %dma_start3A_35 = tpu.memref_slice %arg14[%dma_start3A_33, %dma_start3A_34] : memref<10240x64xf32, #tpu.memory_space<vmem_shared>> -> memref<10240x64xf32, #tpu.memory_space<vmem_shared>>
    tpu.enqueue_indirect_dma source(%arg10 : memref<80x64xf32, #tpu.memory_space<vmem>>) target(%dma_start3A_35 : memref<10240x64xf32, #tpu.memory_space<vmem_shared>>) offsets(%dma_start3A_32 : memref<80xi32, #tpu.memory_space<vmem>>) semaphore(%arg15 : memref<!tpu.dma_semaphore, #tpu.memory_space<semaphore_mem>>) {add = true}
    %dma_start3A_36 = arith.constant 3 : i32
    %dma_start3A_37 = arith.constant 0 : i32
    %dma_start3A_38 = tpu.memref_slice %arg8[%dma_start3A_36, %dma_start3A_37] : memref<125x80xi32, #tpu.memory_space<vmem>> -> memref<1x80xi32, #tpu.memory_space<vmem>>
    %dma_start3A_39 = tpu.memref_squeeze %dma_start3A_38 : memref<1x80xi32, #tpu.memory_space<vmem>> -> memref<80xi32, #tpu.memory_space<vmem>>
    %dma_start3A_40 = arith.constant 0 : i32
    %dma_start3A_41 = arith.constant 0 : i32
    %dma_start3A_42 = tpu.memref_slice %arg2[%dma_start3A_40, %dma_start3A_41] : memref<10000x64xf32, #tpu.memory_space<hbm>> -> memref<10000x64xf32, #tpu.memory_space<hbm>>
    tpu.enqueue_indirect_dma source(%dma_start3A_42 : memref<10000x64xf32, #tpu.memory_space<hbm>>) target(%arg13 : memref<80x64xf32, #tpu.memory_space<vmem>>) offsets(%dma_start3A_39 : memref<80xi32, #tpu.memory_space<vmem>>) semaphore(%arg18 : memref<!tpu.dma_semaphore, #tpu.memory_space<semaphore_mem>>)
    %dma_wait3A_43 = arith.constant 1 : i32
    %dma_wait3A_44 = arith.constant 0 : i32
    %dma_wait3A_45 = tpu.memref_slice %arg8[%dma_wait3A_43, %dma_wait3A_44] : memref<125x80xi32, #tpu.memory_space<vmem>> -> memref<1x80xi32, #tpu.memory_space<vmem>>
    %dma_wait3A_46 = tpu.memref_squeeze %dma_wait3A_45 : memref<1x80xi32, #tpu.memory_space<vmem>> -> memref<80xi32, #tpu.memory_space<vmem>>
    %dma_wait3A_47 = arith.constant 0 : i32
    %dma_wait3A_48 = arith.constant 0 : i32
    %dma_wait3A_49 = tpu.memref_slice %arg2[%dma_wait3A_47, %dma_wait3A_48] : memref<10000x64xf32, #tpu.memory_space<hbm>> -> memref<10000x64xf32, #tpu.memory_space<hbm>>
    tpu.wait_indirect_dma semaphore(%arg16 : memref<!tpu.dma_semaphore, #tpu.memory_space<semaphore_mem>>) src(%dma_wait3A_49 : memref<10000x64xf32, #tpu.memory_space<hbm>>) dst(%arg11 : memref<80x64xf32, #tpu.memory_space<vmem>>)
    %dma_start3A_50 = arith.constant 1 : i32
    %dma_start3A_51 = arith.constant 0 : i32
    %dma_start3A_52 = tpu.memref_slice %arg9[%dma_start3A_50, %dma_start3A_51] : memref<125x80xi32, #tpu.memory_space<vmem>> -> memref<1x80xi32, #tpu.memory_space<vmem>>
    %dma_start3A_53 = tpu.memref_squeeze %dma_start3A_52 : memref<1x80xi32, #tpu.memory_space<vmem>> -> memref<80xi32, #tpu.memory_space<vmem>>
    %dma_start3A_54 = arith.constant 0 : i32
    %dma_start3A_55 = arith.constant 0 : i32
    %dma_start3A_56 = tpu.memref_slice %arg14[%dma_start3A_54, %dma_start3A_55] : memref<10240x64xf32, #tpu.memory_space<vmem_shared>> -> memref<10240x64xf32, #tpu.memory_space<vmem_shared>>
    tpu.enqueue_indirect_dma source(%arg11 : memref<80x64xf32, #tpu.memory_space<vmem>>) target(%dma_start3A_56 : memref<10240x64xf32, #tpu.memory_space<vmem_shared>>) offsets(%dma_start3A_53 : memref<80xi32, #tpu.memory_space<vmem>>) semaphore(%arg16 : memref<!tpu.dma_semaphore, #tpu.memory_space<semaphore_mem>>) {add = true}
    %scan3A = arith.constant 0 : i32
    %scan3A_57 = arith.constant 0 : i32
    %scan3A_58 = arith.constant 30 : i32
    %scan3A_59 = arith.addi %scan3A_57, %scan3A_58 : i32
    %scan3A_60 = arith.constant 1 : i32
    scf.for %scan3A_156 = %scan3A_57 to %scan3A_59 step %scan3A_60  : i32 {
      %mul3A_157 = arith.constant 4 : i32
      %mul3A_158 = arith.muli %mul3A_157, %scan3A_156 : i32
      %add3A_159 = arith.constant 2 : i32
      %add3A_160 = arith.addi %mul3A_158, %add3A_159 : i32
      %add3A_161 = arith.constant 0 : i32
      %add3A_162 = arith.addi %add3A_160, %add3A_161 : i32
      %sub3A = arith.constant 2 : i32
      %sub3A_163 = arith.subi %add3A_162, %sub3A : i32
      %dma_wait3A_164 = arith.constant 0 : i32
      %dma_wait3A_165 = tpu.memref_slice %arg9[%sub3A_163, %dma_wait3A_164] : memref<125x80xi32, #tpu.memory_space<vmem>> -> memref<1x80xi32, #tpu.memory_space<vmem>>
      %dma_wait3A_166 = tpu.memref_squeeze %dma_wait3A_165 : memref<1x80xi32, #tpu.memory_space<vmem>> -> memref<80xi32, #tpu.memory_space<vmem>>
      %dma_wait3A_167 = arith.constant 0 : i32
      %dma_wait3A_168 = arith.constant 0 : i32
      %dma_wait3A_169 = tpu.memref_slice %arg14[%dma_wait3A_167, %dma_wait3A_168] : memref<10240x64xf32, #tpu.memory_space<vmem_shared>> -> memref<10240x64xf32, #tpu.memory_space<vmem_shared>>
      tpu.wait_indirect_dma semaphore(%arg15 : memref<!tpu.dma_semaphore, #tpu.memory_space<semaphore_mem>>) src(%arg10 : memref<80x64xf32, #tpu.memory_space<vmem>>) dst(%dma_wait3A_169 : memref<10240x64xf32, #tpu.memory_space<vmem_shared>>)
      %add3A_170 = arith.constant 2 : i32
      %add3A_171 = arith.addi %add3A_162, %add3A_170 : i32
      %dma_start3A_172 = arith.constant 0 : i32
      %dma_start3A_173 = tpu.memref_slice %arg8[%add3A_171, %dma_start3A_172] : memref<125x80xi32, #tpu.memory_space<vmem>> -> memref<1x80xi32, #tpu.memory_space<vmem>>
      %dma_start3A_174 = tpu.memref_squeeze %dma_start3A_173 : memref<1x80xi32, #tpu.memory_space<vmem>> -> memref<80xi32, #tpu.memory_space<vmem>>
      %dma_start3A_175 = arith.constant 0 : i32
      %dma_start3A_176 = arith.constant 0 : i32
      %dma_start3A_177 = tpu.memref_slice %arg2[%dma_start3A_175, %dma_start3A_176] : memref<10000x64xf32, #tpu.memory_space<hbm>> -> memref<10000x64xf32, #tpu.memory_space<hbm>>
      tpu.enqueue_indirect_dma source(%dma_start3A_177 : memref<10000x64xf32, #tpu.memory_space<hbm>>) target(%arg10 : memref<80x64xf32, #tpu.memory_space<vmem>>) offsets(%dma_start3A_174 : memref<80xi32, #tpu.memory_space<vmem>>) semaphore(%arg15 : memref<!tpu.dma_semaphore, #tpu.memory_space<semaphore_mem>>)
      %dma_wait3A_178 = arith.constant 0 : i32
      %dma_wait3A_179 = tpu.memref_slice %arg8[%add3A_162, %dma_wait3A_178] : memref<125x80xi32, #tpu.memory_space<vmem>> -> memref<1x80xi32, #tpu.memory_space<vmem>>
      %dma_wait3A_180 = tpu.memref_squeeze %dma_wait3A_179 : memref<1x80xi32, #tpu.memory_space<vmem>> -> memref<80xi32, #tpu.memory_space<vmem>>
      %dma_wait3A_181 = arith.constant 0 : i32
      %dma_wait3A_182 = arith.constant 0 : i32
      %dma_wait3A_183 = tpu.memref_slice %arg2[%dma_wait3A_181, %dma_wait3A_182] : memref<10000x64xf32, #tpu.memory_space<hbm>> -> memref<10000x64xf32, #tpu.memory_space<hbm>>
      tpu.wait_indirect_dma semaphore(%arg17 : memref<!tpu.dma_semaphore, #tpu.memory_space<semaphore_mem>>) src(%dma_wait3A_183 : memref<10000x64xf32, #tpu.memory_space<hbm>>) dst(%arg12 : memref<80x64xf32, #tpu.memory_space<vmem>>)
      %dma_start3A_184 = arith.constant 0 : i32
      %dma_start3A_185 = tpu.memref_slice %arg9[%add3A_162, %dma_start3A_184] : memref<125x80xi32, #tpu.memory_space<vmem>> -> memref<1x80xi32, #tpu.memory_space<vmem>>
      %dma_start3A_186 = tpu.memref_squeeze %dma_start3A_185 : memref<1x80xi32, #tpu.memory_space<vmem>> -> memref<80xi32, #tpu.memory_space<vmem>>
      %dma_start3A_187 = arith.constant 0 : i32
      %dma_start3A_188 = arith.constant 0 : i32
      %dma_start3A_189 = tpu.memref_slice %arg14[%dma_start3A_187, %dma_start3A_188] : memref<10240x64xf32, #tpu.memory_space<vmem_shared>> -> memref<10240x64xf32, #tpu.memory_space<vmem_shared>>
      tpu.enqueue_indirect_dma source(%arg12 : memref<80x64xf32, #tpu.memory_space<vmem>>) target(%dma_start3A_189 : memref<10240x64xf32, #tpu.memory_space<vmem_shared>>) offsets(%dma_start3A_186 : memref<80xi32, #tpu.memory_space<vmem>>) semaphore(%arg17 : memref<!tpu.dma_semaphore, #tpu.memory_space<semaphore_mem>>) {add = true}
      %add3A_190 = arith.constant 1 : i32
      %add3A_191 = arith.addi %add3A_160, %add3A_190 : i32
      %sub3A_192 = arith.constant 2 : i32
      %sub3A_193 = arith.subi %add3A_191, %sub3A_192 : i32
      %dma_wait3A_194 = arith.constant 0 : i32
      %dma_wait3A_195 = tpu.memref_slice %arg9[%sub3A_193, %dma_wait3A_194] : memref<125x80xi32, #tpu.memory_space<vmem>> -> memref<1x80xi32, #tpu.memory_space<vmem>>
      %dma_wait3A_196 = tpu.memref_squeeze %dma_wait3A_195 : memref<1x80xi32, #tpu.memory_space<vmem>> -> memref<80xi32, #tpu.memory_space<vmem>>
      %dma_wait3A_197 = arith.constant 0 : i32
      %dma_wait3A_198 = arith.constant 0 : i32
      %dma_wait3A_199 = tpu.memref_slice %arg14[%dma_wait3A_197, %dma_wait3A_198] : memref<10240x64xf32, #tpu.memory_space<vmem_shared>> -> memref<10240x64xf32, #tpu.memory_space<vmem_shared>>
      tpu.wait_indirect_dma semaphore(%arg16 : memref<!tpu.dma_semaphore, #tpu.memory_space<semaphore_mem>>) src(%arg11 : memref<80x64xf32, #tpu.memory_space<vmem>>) dst(%dma_wait3A_199 : memref<10240x64xf32, #tpu.memory_space<vmem_shared>>)
      %add3A_200 = arith.constant 2 : i32
      %add3A_201 = arith.addi %add3A_191, %add3A_200 : i32
      %dma_start3A_202 = arith.constant 0 : i32
      %dma_start3A_203 = tpu.memref_slice %arg8[%add3A_201, %dma_start3A_202] : memref<125x80xi32, #tpu.memory_space<vmem>> -> memref<1x80xi32, #tpu.memory_space<vmem>>
      %dma_start3A_204 = tpu.memref_squeeze %dma_start3A_203 : memref<1x80xi32, #tpu.memory_space<vmem>> -> memref<80xi32, #tpu.memory_space<vmem>>
      %dma_start3A_205 = arith.constant 0 : i32
      %dma_start3A_206 = arith.constant 0 : i32
      %dma_start3A_207 = tpu.memref_slice %arg2[%dma_start3A_205, %dma_start3A_206] : memref<10000x64xf32, #tpu.memory_space<hbm>> -> memref<10000x64xf32, #tpu.memory_space<hbm>>
      tpu.enqueue_indirect_dma source(%dma_start3A_207 : memref<10000x64xf32, #tpu.memory_space<hbm>>) target(%arg11 : memref<80x64xf32, #tpu.memory_space<vmem>>) offsets(%dma_start3A_204 : memref<80xi32, #tpu.memory_space<vmem>>) semaphore(%arg16 : memref<!tpu.dma_semaphore, #tpu.memory_space<semaphore_mem>>)
      %dma_wait3A_208 = arith.constant 0 : i32
      %dma_wait3A_209 = tpu.memref_slice %arg8[%add3A_191, %dma_wait3A_208] : memref<125x80xi32, #tpu.memory_space<vmem>> -> memref<1x80xi32, #tpu.memory_space<vmem>>
      %dma_wait3A_210 = tpu.memref_squeeze %dma_wait3A_209 : memref<1x80xi32, #tpu.memory_space<vmem>> -> memref<80xi32, #tpu.memory_space<vmem>>
      %dma_wait3A_211 = arith.constant 0 : i32
      %dma_wait3A_212 = arith.constant 0 : i32
      %dma_wait3A_213 = tpu.memref_slice %arg2[%dma_wait3A_211, %dma_wait3A_212] : memref<10000x64xf32, #tpu.memory_space<hbm>> -> memref<10000x64xf32, #tpu.memory_space<hbm>>
      tpu.wait_indirect_dma semaphore(%arg18 : memref<!tpu.dma_semaphore, #tpu.memory_space<semaphore_mem>>) src(%dma_wait3A_213 : memref<10000x64xf32, #tpu.memory_space<hbm>>) dst(%arg13 : memref<80x64xf32, #tpu.memory_space<vmem>>)
      %dma_start3A_214 = arith.constant 0 : i32
      %dma_start3A_215 = tpu.memref_slice %arg9[%add3A_191, %dma_start3A_214] : memref<125x80xi32, #tpu.memory_space<vmem>> -> memref<1x80xi32, #tpu.memory_space<vmem>>
      %dma_start3A_216 = tpu.memref_squeeze %dma_start3A_215 : memref<1x80xi32, #tpu.memory_space<vmem>> -> memref<80xi32, #tpu.memory_space<vmem>>
      %dma_start3A_217 = arith.constant 0 : i32
      %dma_start3A_218 = arith.constant 0 : i32
      %dma_start3A_219 = tpu.memref_slice %arg14[%dma_start3A_217, %dma_start3A_218] : memref<10240x64xf32, #tpu.memory_space<vmem_shared>> -> memref<10240x64xf32, #tpu.memory_space<vmem_shared>>
      tpu.enqueue_indirect_dma source(%arg13 : memref<80x64xf32, #tpu.memory_space<vmem>>) target(%dma_start3A_219 : memref<10240x64xf32, #tpu.memory_space<vmem_shared>>) offsets(%dma_start3A_216 : memref<80xi32, #tpu.memory_space<vmem>>) semaphore(%arg18 : memref<!tpu.dma_semaphore, #tpu.memory_space<semaphore_mem>>) {add = true}
      %add3A_220 = arith.constant 2 : i32
      %add3A_221 = arith.addi %add3A_160, %add3A_220 : i32
      %sub3A_222 = arith.constant 2 : i32
      %sub3A_223 = arith.subi %add3A_221, %sub3A_222 : i32
      %dma_wait3A_224 = arith.constant 0 : i32
      %dma_wait3A_225 = tpu.memref_slice %arg9[%sub3A_223, %dma_wait3A_224] : memref<125x80xi32, #tpu.memory_space<vmem>> -> memref<1x80xi32, #tpu.memory_space<vmem>>
      %dma_wait3A_226 = tpu.memref_squeeze %dma_wait3A_225 : memref<1x80xi32, #tpu.memory_space<vmem>> -> memref<80xi32, #tpu.memory_space<vmem>>
      %dma_wait3A_227 = arith.constant 0 : i32
      %dma_wait3A_228 = arith.constant 0 : i32
      %dma_wait3A_229 = tpu.memref_slice %arg14[%dma_wait3A_227, %dma_wait3A_228] : memref<10240x64xf32, #tpu.memory_space<vmem_shared>> -> memref<10240x64xf32, #tpu.memory_space<vmem_shared>>
      tpu.wait_indirect_dma semaphore(%arg17 : memref<!tpu.dma_semaphore, #tpu.memory_space<semaphore_mem>>) src(%arg12 : memref<80x64xf32, #tpu.memory_space<vmem>>) dst(%dma_wait3A_229 : memref<10240x64xf32, #tpu.memory_space<vmem_shared>>)
      %add3A_230 = arith.constant 2 : i32
      %add3A_231 = arith.addi %add3A_221, %add3A_230 : i32
      %dma_start3A_232 = arith.constant 0 : i32
      %dma_start3A_233 = tpu.memref_slice %arg8[%add3A_231, %dma_start3A_232] : memref<125x80xi32, #tpu.memory_space<vmem>> -> memref<1x80xi32, #tpu.memory_space<vmem>>
      %dma_start3A_234 = tpu.memref_squeeze %dma_start3A_233 : memref<1x80xi32, #tpu.memory_space<vmem>> -> memref<80xi32, #tpu.memory_space<vmem>>
      %dma_start3A_235 = arith.constant 0 : i32
      %dma_start3A_236 = arith.constant 0 : i32
      %dma_start3A_237 = tpu.memref_slice %arg2[%dma_start3A_235, %dma_start3A_236] : memref<10000x64xf32, #tpu.memory_space<hbm>> -> memref<10000x64xf32, #tpu.memory_space<hbm>>
      tpu.enqueue_indirect_dma source(%dma_start3A_237 : memref<10000x64xf32, #tpu.memory_space<hbm>>) target(%arg12 : memref<80x64xf32, #tpu.memory_space<vmem>>) offsets(%dma_start3A_234 : memref<80xi32, #tpu.memory_space<vmem>>) semaphore(%arg17 : memref<!tpu.dma_semaphore, #tpu.memory_space<semaphore_mem>>)
      %dma_wait3A_238 = arith.constant 0 : i32
      %dma_wait3A_239 = tpu.memref_slice %arg8[%add3A_221, %dma_wait3A_238] : memref<125x80xi32, #tpu.memory_space<vmem>> -> memref<1x80xi32, #tpu.memory_space<vmem>>
      %dma_wait3A_240 = tpu.memref_squeeze %dma_wait3A_239 : memref<1x80xi32, #tpu.memory_space<vmem>> -> memref<80xi32, #tpu.memory_space<vmem>>
      %dma_wait3A_241 = arith.constant 0 : i32
      %dma_wait3A_242 = arith.constant 0 : i32
      %dma_wait3A_243 = tpu.memref_slice %arg2[%dma_wait3A_241, %dma_wait3A_242] : memref<10000x64xf32, #tpu.memory_space<hbm>> -> memref<10000x64xf32, #tpu.memory_space<hbm>>
      tpu.wait_indirect_dma semaphore(%arg15 : memref<!tpu.dma_semaphore, #tpu.memory_space<semaphore_mem>>) src(%dma_wait3A_243 : memref<10000x64xf32, #tpu.memory_space<hbm>>) dst(%arg10 : memref<80x64xf32, #tpu.memory_space<vmem>>)
      %dma_start3A_244 = arith.constant 0 : i32
      %dma_start3A_245 = tpu.memref_slice %arg9[%add3A_221, %dma_start3A_244] : memref<125x80xi32, #tpu.memory_space<vmem>> -> memref<1x80xi32, #tpu.memory_space<vmem>>
      %dma_start3A_246 = tpu.memref_squeeze %dma_start3A_245 : memref<1x80xi32, #tpu.memory_space<vmem>> -> memref<80xi32, #tpu.memory_space<vmem>>
      %dma_start3A_247 = arith.constant 0 : i32
      %dma_start3A_248 = arith.constant 0 : i32
      %dma_start3A_249 = tpu.memref_slice %arg14[%dma_start3A_247, %dma_start3A_248] : memref<10240x64xf32, #tpu.memory_space<vmem_shared>> -> memref<10240x64xf32, #tpu.memory_space<vmem_shared>>
      tpu.enqueue_indirect_dma source(%arg10 : memref<80x64xf32, #tpu.memory_space<vmem>>) target(%dma_start3A_249 : memref<10240x64xf32, #tpu.memory_space<vmem_shared>>) offsets(%dma_start3A_246 : memref<80xi32, #tpu.memory_space<vmem>>) semaphore(%arg15 : memref<!tpu.dma_semaphore, #tpu.memory_space<semaphore_mem>>) {add = true}
      %add3A_250 = arith.constant 3 : i32
      %add3A_251 = arith.addi %add3A_160, %add3A_250 : i32
      %sub3A_252 = arith.constant 2 : i32
      %sub3A_253 = arith.subi %add3A_251, %sub3A_252 : i32
      %dma_wait3A_254 = arith.constant 0 : i32
      %dma_wait3A_255 = tpu.memref_slice %arg9[%sub3A_253, %dma_wait3A_254] : memref<125x80xi32, #tpu.memory_space<vmem>> -> memref<1x80xi32, #tpu.memory_space<vmem>>
      %dma_wait3A_256 = tpu.memref_squeeze %dma_wait3A_255 : memref<1x80xi32, #tpu.memory_space<vmem>> -> memref<80xi32, #tpu.memory_space<vmem>>
      %dma_wait3A_257 = arith.constant 0 : i32
      %dma_wait3A_258 = arith.constant 0 : i32
      %dma_wait3A_259 = tpu.memref_slice %arg14[%dma_wait3A_257, %dma_wait3A_258] : memref<10240x64xf32, #tpu.memory_space<vmem_shared>> -> memref<10240x64xf32, #tpu.memory_space<vmem_shared>>
      tpu.wait_indirect_dma semaphore(%arg18 : memref<!tpu.dma_semaphore, #tpu.memory_space<semaphore_mem>>) src(%arg13 : memref<80x64xf32, #tpu.memory_space<vmem>>) dst(%dma_wait3A_259 : memref<10240x64xf32, #tpu.memory_space<vmem_shared>>)
      %add3A_260 = arith.constant 2 : i32
      %add3A_261 = arith.addi %add3A_251, %add3A_260 : i32
      %dma_start3A_262 = arith.constant 0 : i32
      %dma_start3A_263 = tpu.memref_slice %arg8[%add3A_261, %dma_start3A_262] : memref<125x80xi32, #tpu.memory_space<vmem>> -> memref<1x80xi32, #tpu.memory_space<vmem>>
      %dma_start3A_264 = tpu.memref_squeeze %dma_start3A_263 : memref<1x80xi32, #tpu.memory_space<vmem>> -> memref<80xi32, #tpu.memory_space<vmem>>
      %dma_start3A_265 = arith.constant 0 : i32
      %dma_start3A_266 = arith.constant 0 : i32
      %dma_start3A_267 = tpu.memref_slice %arg2[%dma_start3A_265, %dma_start3A_266] : memref<10000x64xf32, #tpu.memory_space<hbm>> -> memref<10000x64xf32, #tpu.memory_space<hbm>>
      tpu.enqueue_indirect_dma source(%dma_start3A_267 : memref<10000x64xf32, #tpu.memory_space<hbm>>) target(%arg13 : memref<80x64xf32, #tpu.memory_space<vmem>>) offsets(%dma_start3A_264 : memref<80xi32, #tpu.memory_space<vmem>>) semaphore(%arg18 : memref<!tpu.dma_semaphore, #tpu.memory_space<semaphore_mem>>)
      %dma_wait3A_268 = arith.constant 0 : i32
      %dma_wait3A_269 = tpu.memref_slice %arg8[%add3A_251, %dma_wait3A_268] : memref<125x80xi32, #tpu.memory_space<vmem>> -> memref<1x80xi32, #tpu.memory_space<vmem>>
      %dma_wait3A_270 = tpu.memref_squeeze %dma_wait3A_269 : memref<1x80xi32, #tpu.memory_space<vmem>> -> memref<80xi32, #tpu.memory_space<vmem>>
      %dma_wait3A_271 = arith.constant 0 : i32
      %dma_wait3A_272 = arith.constant 0 : i32
      %dma_wait3A_273 = tpu.memref_slice %arg2[%dma_wait3A_271, %dma_wait3A_272] : memref<10000x64xf32, #tpu.memory_space<hbm>> -> memref<10000x64xf32, #tpu.memory_space<hbm>>
      tpu.wait_indirect_dma semaphore(%arg16 : memref<!tpu.dma_semaphore, #tpu.memory_space<semaphore_mem>>) src(%dma_wait3A_273 : memref<10000x64xf32, #tpu.memory_space<hbm>>) dst(%arg11 : memref<80x64xf32, #tpu.memory_space<vmem>>)
      %dma_start3A_274 = arith.constant 0 : i32
      %dma_start3A_275 = tpu.memref_slice %arg9[%add3A_251, %dma_start3A_274] : memref<125x80xi32, #tpu.memory_space<vmem>> -> memref<1x80xi32, #tpu.memory_space<vmem>>
      %dma_start3A_276 = tpu.memref_squeeze %dma_start3A_275 : memref<1x80xi32, #tpu.memory_space<vmem>> -> memref<80xi32, #tpu.memory_space<vmem>>
      %dma_start3A_277 = arith.constant 0 : i32
      %dma_start3A_278 = arith.constant 0 : i32
      %dma_start3A_279 = tpu.memref_slice %arg14[%dma_start3A_277, %dma_start3A_278] : memref<10240x64xf32, #tpu.memory_space<vmem_shared>> -> memref<10240x64xf32, #tpu.memory_space<vmem_shared>>
      tpu.enqueue_indirect_dma source(%arg11 : memref<80x64xf32, #tpu.memory_space<vmem>>) target(%dma_start3A_279 : memref<10240x64xf32, #tpu.memory_space<vmem_shared>>) offsets(%dma_start3A_276 : memref<80xi32, #tpu.memory_space<vmem>>) semaphore(%arg16 : memref<!tpu.dma_semaphore, #tpu.memory_space<semaphore_mem>>) {add = true}
    }
    %scan3A_61 = arith.constant 30 : i32
    %dma_wait3A_62 = arith.constant 120 : i32
    %dma_wait3A_63 = arith.constant 0 : i32
    %dma_wait3A_64 = tpu.memref_slice %arg9[%dma_wait3A_62, %dma_wait3A_63] : memref<125x80xi32, #tpu.memory_space<vmem>> -> memref<1x80xi32, #tpu.memory_space<vmem>>
    %dma_wait3A_65 = tpu.memref_squeeze %dma_wait3A_64 : memref<1x80xi32, #tpu.memory_space<vmem>> -> memref<80xi32, #tpu.memory_space<vmem>>
    %dma_wait3A_66 = arith.constant 0 : i32
    %dma_wait3A_67 = arith.constant 0 : i32
    %dma_wait3A_68 = tpu.memref_slice %arg14[%dma_wait3A_66, %dma_wait3A_67] : memref<10240x64xf32, #tpu.memory_space<vmem_shared>> -> memref<10240x64xf32, #tpu.memory_space<vmem_shared>>
    tpu.wait_indirect_dma semaphore(%arg15 : memref<!tpu.dma_semaphore, #tpu.memory_space<semaphore_mem>>) src(%arg10 : memref<80x64xf32, #tpu.memory_space<vmem>>) dst(%dma_wait3A_68 : memref<10240x64xf32, #tpu.memory_space<vmem_shared>>)
    %dma_start3A_69 = arith.constant 124 : i32
    %dma_start3A_70 = arith.constant 0 : i32
    %dma_start3A_71 = tpu.memref_slice %arg8[%dma_start3A_69, %dma_start3A_70] : memref<125x80xi32, #tpu.memory_space<vmem>> -> memref<1x80xi32, #tpu.memory_space<vmem>>
    %dma_start3A_72 = tpu.memref_squeeze %dma_start3A_71 : memref<1x80xi32, #tpu.memory_space<vmem>> -> memref<80xi32, #tpu.memory_space<vmem>>
    %dma_start3A_73 = arith.constant 0 : i32
    %dma_start3A_74 = arith.constant 0 : i32
    %dma_start3A_75 = tpu.memref_slice %arg2[%dma_start3A_73, %dma_start3A_74] : memref<10000x64xf32, #tpu.memory_space<hbm>> -> memref<10000x64xf32, #tpu.memory_space<hbm>>
    tpu.enqueue_indirect_dma source(%dma_start3A_75 : memref<10000x64xf32, #tpu.memory_space<hbm>>) target(%arg10 : memref<80x64xf32, #tpu.memory_space<vmem>>) offsets(%dma_start3A_72 : memref<80xi32, #tpu.memory_space<vmem>>) semaphore(%arg15 : memref<!tpu.dma_semaphore, #tpu.memory_space<semaphore_mem>>)
    %dma_wait3A_76 = arith.constant 122 : i32
    %dma_wait3A_77 = arith.constant 0 : i32
    %dma_wait3A_78 = tpu.memref_slice %arg8[%dma_wait3A_76, %dma_wait3A_77] : memref<125x80xi32, #tpu.memory_space<vmem>> -> memref<1x80xi32, #tpu.memory_space<vmem>>
    %dma_wait3A_79 = tpu.memref_squeeze %dma_wait3A_78 : memref<1x80xi32, #tpu.memory_space<vmem>> -> memref<80xi32, #tpu.memory_space<vmem>>
    %dma_wait3A_80 = arith.constant 0 : i32
    %dma_wait3A_81 = arith.constant 0 : i32
    %dma_wait3A_82 = tpu.memref_slice %arg2[%dma_wait3A_80, %dma_wait3A_81] : memref<10000x64xf32, #tpu.memory_space<hbm>> -> memref<10000x64xf32, #tpu.memory_space<hbm>>
    tpu.wait_indirect_dma semaphore(%arg17 : memref<!tpu.dma_semaphore, #tpu.memory_space<semaphore_mem>>) src(%dma_wait3A_82 : memref<10000x64xf32, #tpu.memory_space<hbm>>) dst(%arg12 : memref<80x64xf32, #tpu.memory_space<vmem>>)
    %dma_start3A_83 = arith.constant 122 : i32
    %dma_start3A_84 = arith.constant 0 : i32
    %dma_start3A_85 = tpu.memref_slice %arg9[%dma_start3A_83, %dma_start3A_84] : memref<125x80xi32, #tpu.memory_space<vmem>> -> memref<1x80xi32, #tpu.memory_space<vmem>>
    %dma_start3A_86 = tpu.memref_squeeze %dma_start3A_85 : memref<1x80xi32, #tpu.memory_space<vmem>> -> memref<80xi32, #tpu.memory_space<vmem>>
    %dma_start3A_87 = arith.constant 0 : i32
    %dma_start3A_88 = arith.constant 0 : i32
    %dma_start3A_89 = tpu.memref_slice %arg14[%dma_start3A_87, %dma_start3A_88] : memref<10240x64xf32, #tpu.memory_space<vmem_shared>> -> memref<10240x64xf32, #tpu.memory_space<vmem_shared>>
    tpu.enqueue_indirect_dma source(%arg12 : memref<80x64xf32, #tpu.memory_space<vmem>>) target(%dma_start3A_89 : memref<10240x64xf32, #tpu.memory_space<vmem_shared>>) offsets(%dma_start3A_86 : memref<80xi32, #tpu.memory_space<vmem>>) semaphore(%arg17 : memref<!tpu.dma_semaphore, #tpu.memory_space<semaphore_mem>>) {add = true}
    %dma_wait3A_90 = arith.constant 121 : i32
    %dma_wait3A_91 = arith.constant 0 : i32
    %dma_wait3A_92 = tpu.memref_slice %arg9[%dma_wait3A_90, %dma_wait3A_91] : memref<125x80xi32, #tpu.memory_space<vmem>> -> memref<1x80xi32, #tpu.memory_space<vmem>>
    %dma_wait3A_93 = tpu.memref_squeeze %dma_wait3A_92 : memref<1x80xi32, #tpu.memory_space<vmem>> -> memref<80xi32, #tpu.memory_space<vmem>>
    %dma_wait3A_94 = arith.constant 0 : i32
    %dma_wait3A_95 = arith.constant 0 : i32
    %dma_wait3A_96 = tpu.memref_slice %arg14[%dma_wait3A_94, %dma_wait3A_95] : memref<10240x64xf32, #tpu.memory_space<vmem_shared>> -> memref<10240x64xf32, #tpu.memory_space<vmem_shared>>
    tpu.wait_indirect_dma semaphore(%arg16 : memref<!tpu.dma_semaphore, #tpu.memory_space<semaphore_mem>>) src(%arg11 : memref<80x64xf32, #tpu.memory_space<vmem>>) dst(%dma_wait3A_96 : memref<10240x64xf32, #tpu.memory_space<vmem_shared>>)
    %dma_wait3A_97 = arith.constant 123 : i32
    %dma_wait3A_98 = arith.constant 0 : i32
    %dma_wait3A_99 = tpu.memref_slice %arg8[%dma_wait3A_97, %dma_wait3A_98] : memref<125x80xi32, #tpu.memory_space<vmem>> -> memref<1x80xi32, #tpu.memory_space<vmem>>
    %dma_wait3A_100 = tpu.memref_squeeze %dma_wait3A_99 : memref<1x80xi32, #tpu.memory_space<vmem>> -> memref<80xi32, #tpu.memory_space<vmem>>
    %dma_wait3A_101 = arith.constant 0 : i32
    %dma_wait3A_102 = arith.constant 0 : i32
    %dma_wait3A_103 = tpu.memref_slice %arg2[%dma_wait3A_101, %dma_wait3A_102] : memref<10000x64xf32, #tpu.memory_space<hbm>> -> memref<10000x64xf32, #tpu.memory_space<hbm>>
    tpu.wait_indirect_dma semaphore(%arg18 : memref<!tpu.dma_semaphore, #tpu.memory_space<semaphore_mem>>) src(%dma_wait3A_103 : memref<10000x64xf32, #tpu.memory_space<hbm>>) dst(%arg13 : memref<80x64xf32, #tpu.memory_space<vmem>>)
    %dma_start3A_104 = arith.constant 123 : i32
    %dma_start3A_105 = arith.constant 0 : i32
    %dma_start3A_106 = tpu.memref_slice %arg9[%dma_start3A_104, %dma_start3A_105] : memref<125x80xi32, #tpu.memory_space<vmem>> -> memref<1x80xi32, #tpu.memory_space<vmem>>
    %dma_start3A_107 = tpu.memref_squeeze %dma_start3A_106 : memref<1x80xi32, #tpu.memory_space<vmem>> -> memref<80xi32, #tpu.memory_space<vmem>>
    %dma_start3A_108 = arith.constant 0 : i32
    %dma_start3A_109 = arith.constant 0 : i32
    %dma_start3A_110 = tpu.memref_slice %arg14[%dma_start3A_108, %dma_start3A_109] : memref<10240x64xf32, #tpu.memory_space<vmem_shared>> -> memref<10240x64xf32, #tpu.memory_space<vmem_shared>>
    tpu.enqueue_indirect_dma source(%arg13 : memref<80x64xf32, #tpu.memory_space<vmem>>) target(%dma_start3A_110 : memref<10240x64xf32, #tpu.memory_space<vmem_shared>>) offsets(%dma_start3A_107 : memref<80xi32, #tpu.memory_space<vmem>>) semaphore(%arg18 : memref<!tpu.dma_semaphore, #tpu.memory_space<semaphore_mem>>) {add = true}
    %dma_wait3A_111 = arith.constant 124 : i32
    %dma_wait3A_112 = arith.constant 0 : i32
    %dma_wait3A_113 = tpu.memref_slice %arg8[%dma_wait3A_111, %dma_wait3A_112] : memref<125x80xi32, #tpu.memory_space<vmem>> -> memref<1x80xi32, #tpu.memory_space<vmem>>
    %dma_wait3A_114 = tpu.memref_squeeze %dma_wait3A_113 : memref<1x80xi32, #tpu.memory_space<vmem>> -> memref<80xi32, #tpu.memory_space<vmem>>
    %dma_wait3A_115 = arith.constant 0 : i32
    %dma_wait3A_116 = arith.constant 0 : i32
    %dma_wait3A_117 = tpu.memref_slice %arg2[%dma_wait3A_115, %dma_wait3A_116] : memref<10000x64xf32, #tpu.memory_space<hbm>> -> memref<10000x64xf32, #tpu.memory_space<hbm>>
    tpu.wait_indirect_dma semaphore(%arg15 : memref<!tpu.dma_semaphore, #tpu.memory_space<semaphore_mem>>) src(%dma_wait3A_117 : memref<10000x64xf32, #tpu.memory_space<hbm>>) dst(%arg10 : memref<80x64xf32, #tpu.memory_space<vmem>>)
    %dma_start3A_118 = arith.constant 124 : i32
    %dma_start3A_119 = arith.constant 0 : i32
    %dma_start3A_120 = tpu.memref_slice %arg9[%dma_start3A_118, %dma_start3A_119] : memref<125x80xi32, #tpu.memory_space<vmem>> -> memref<1x80xi32, #tpu.memory_space<vmem>>
    %dma_start3A_121 = tpu.memref_squeeze %dma_start3A_120 : memref<1x80xi32, #tpu.memory_space<vmem>> -> memref<80xi32, #tpu.memory_space<vmem>>
    %dma_start3A_122 = arith.constant 0 : i32
    %dma_start3A_123 = arith.constant 0 : i32
    %dma_start3A_124 = tpu.memref_slice %arg14[%dma_start3A_122, %dma_start3A_123] : memref<10240x64xf32, #tpu.memory_space<vmem_shared>> -> memref<10240x64xf32, #tpu.memory_space<vmem_shared>>
    tpu.enqueue_indirect_dma source(%arg10 : memref<80x64xf32, #tpu.memory_space<vmem>>) target(%dma_start3A_124 : memref<10240x64xf32, #tpu.memory_space<vmem_shared>>) offsets(%dma_start3A_121 : memref<80xi32, #tpu.memory_space<vmem>>) semaphore(%arg15 : memref<!tpu.dma_semaphore, #tpu.memory_space<semaphore_mem>>) {add = true}
    %dma_wait3A_125 = arith.constant 122 : i32
    %dma_wait3A_126 = arith.constant 0 : i32
    %dma_wait3A_127 = tpu.memref_slice %arg9[%dma_wait3A_125, %dma_wait3A_126] : memref<125x80xi32, #tpu.memory_space<vmem>> -> memref<1x80xi32, #tpu.memory_space<vmem>>
    %dma_wait3A_128 = tpu.memref_squeeze %dma_wait3A_127 : memref<1x80xi32, #tpu.memory_space<vmem>> -> memref<80xi32, #tpu.memory_space<vmem>>
    %dma_wait3A_129 = arith.constant 0 : i32
    %dma_wait3A_130 = arith.constant 0 : i32
    %dma_wait3A_131 = tpu.memref_slice %arg14[%dma_wait3A_129, %dma_wait3A_130] : memref<10240x64xf32, #tpu.memory_space<vmem_shared>> -> memref<10240x64xf32, #tpu.memory_space<vmem_shared>>
    tpu.wait_indirect_dma semaphore(%arg17 : memref<!tpu.dma_semaphore, #tpu.memory_space<semaphore_mem>>) src(%arg12 : memref<80x64xf32, #tpu.memory_space<vmem>>) dst(%dma_wait3A_131 : memref<10240x64xf32, #tpu.memory_space<vmem_shared>>)
    %dma_wait3A_132 = arith.constant 123 : i32
    %dma_wait3A_133 = arith.constant 0 : i32
    %dma_wait3A_134 = tpu.memref_slice %arg9[%dma_wait3A_132, %dma_wait3A_133] : memref<125x80xi32, #tpu.memory_space<vmem>> -> memref<1x80xi32, #tpu.memory_space<vmem>>
    %dma_wait3A_135 = tpu.memref_squeeze %dma_wait3A_134 : memref<1x80xi32, #tpu.memory_space<vmem>> -> memref<80xi32, #tpu.memory_space<vmem>>
    %dma_wait3A_136 = arith.constant 0 : i32
    %dma_wait3A_137 = arith.constant 0 : i32
    %dma_wait3A_138 = tpu.memref_slice %arg14[%dma_wait3A_136, %dma_wait3A_137] : memref<10240x64xf32, #tpu.memory_space<vmem_shared>> -> memref<10240x64xf32, #tpu.memory_space<vmem_shared>>
    tpu.wait_indirect_dma semaphore(%arg18 : memref<!tpu.dma_semaphore, #tpu.memory_space<semaphore_mem>>) src(%arg13 : memref<80x64xf32, #tpu.memory_space<vmem>>) dst(%dma_wait3A_138 : memref<10240x64xf32, #tpu.memory_space<vmem_shared>>)
    %dma_wait3A_139 = arith.constant 124 : i32
    %dma_wait3A_140 = arith.constant 0 : i32
    %dma_wait3A_141 = tpu.memref_slice %arg9[%dma_wait3A_139, %dma_wait3A_140] : memref<125x80xi32, #tpu.memory_space<vmem>> -> memref<1x80xi32, #tpu.memory_space<vmem>>
    %dma_wait3A_142 = tpu.memref_squeeze %dma_wait3A_141 : memref<1x80xi32, #tpu.memory_space<vmem>> -> memref<80xi32, #tpu.memory_space<vmem>>
    %dma_wait3A_143 = arith.constant 0 : i32
    %dma_wait3A_144 = arith.constant 0 : i32
    %dma_wait3A_145 = tpu.memref_slice %arg14[%dma_wait3A_143, %dma_wait3A_144] : memref<10240x64xf32, #tpu.memory_space<vmem_shared>> -> memref<10240x64xf32, #tpu.memory_space<vmem_shared>>
    tpu.wait_indirect_dma semaphore(%arg15 : memref<!tpu.dma_semaphore, #tpu.memory_space<semaphore_mem>>) src(%arg10 : memref<80x64xf32, #tpu.memory_space<vmem>>) dst(%dma_wait3A_145 : memref<10240x64xf32, #tpu.memory_space<vmem_shared>>)
    %barrier3A_146 = arith.constant 0 : index
    tpu.barrier barrier_id(%barrier3A_146)
    %mul3A_147 = arith.constant 640 : i32
    %mul3A_148 = arith.muli %arg1, %mul3A_147 : i32
    %eq3A = arith.constant 0 : i32
    %eq3A_149 = arith.cmpi eq, %arg0, %eq3A : i32
    %convert_element_type3A = arith.extui %eq3A_149 : i1 to i32
    %cond3A = arith.constant 0 : i32
    %cond3A_150 = arith.cmpi ne, %convert_element_type3A, %cond3A : i32
    scf.if %cond3A_150 {
      "tpu.region"() ({
        %run_scoped3A = tpu.sem_alloc : memref<!tpu.dma_semaphore, #tpu.memory_space<semaphore_mem>>
        %dma_start3A_156 = arith.constant 0 : i32
        %dma_start3A_157 = tpu.memref_slice %arg6[%mul3A_148, %dma_start3A_156] : memref<10240x64xf32, #tpu.memory_space<hbm>> -> memref<640x64xf32, #tpu.memory_space<hbm>>
        %dma_start3A_158 = arith.constant 0 : i32
        %dma_start3A_159 = tpu.memref_slice %arg14[%mul3A_148, %dma_start3A_158] : memref<10240x64xf32, #tpu.memory_space<vmem_shared>> -> memref<640x64xf32, #tpu.memory_space<vmem_shared>>
        tpu.enqueue_dma source(%dma_start3A_159 : memref<640x64xf32, #tpu.memory_space<vmem_shared>>) target(%dma_start3A_157 : memref<640x64xf32, #tpu.memory_space<hbm>>) target_semaphore(%run_scoped3A : memref<!tpu.dma_semaphore, #tpu.memory_space<semaphore_mem>>)
        %dma_wait3A_160 = arith.constant 0 : i32
        %dma_wait3A_161 = tpu.memref_slice %arg6[%mul3A_148, %dma_wait3A_160] : memref<10240x64xf32, #tpu.memory_space<hbm>> -> memref<640x64xf32, #tpu.memory_space<hbm>>
        %dma_wait3A_162 = arith.constant 0 : i32
        %dma_wait3A_163 = tpu.memref_slice %arg14[%mul3A_148, %dma_wait3A_162] : memref<10240x64xf32, #tpu.memory_space<vmem_shared>> -> memref<640x64xf32, #tpu.memory_space<vmem_shared>>
        tpu.wait_dma2 semaphore(%run_scoped3A : memref<!tpu.dma_semaphore, #tpu.memory_space<semaphore_mem>>) src(%dma_wait3A_163 : memref<640x64xf32, #tpu.memory_space<vmem_shared>>) dst(%dma_wait3A_161 : memref<640x64xf32, #tpu.memory_space<hbm>>)
        tpu.yield
      }) : () -> ()
    } else {
    }
    %eq3A_151 = arith.constant 1 : i32
    %eq3A_152 = arith.cmpi eq, %arg0, %eq3A_151 : i32
    %convert_element_type3A_153 = arith.extui %eq3A_152 : i1 to i32
    %cond3A_154 = arith.constant 0 : i32
    %cond3A_155 = arith.cmpi ne, %convert_element_type3A_153, %cond3A_154 : i32
    scf.if %cond3A_155 {
      "tpu.region"() ({
        %run_scoped3A = tpu.sem_alloc : memref<!tpu.dma_semaphore, #tpu.memory_space<semaphore_mem>>
        %dma_start3A_156 = arith.constant 0 : i32
        %dma_start3A_157 = tpu.memref_slice %arg7[%mul3A_148, %dma_start3A_156] : memref<10240x64xf32, #tpu.memory_space<hbm>> -> memref<640x64xf32, #tpu.memory_space<hbm>>
        %dma_start3A_158 = arith.constant 0 : i32
        %dma_start3A_159 = tpu.memref_slice %arg14[%mul3A_148, %dma_start3A_158] : memref<10240x64xf32, #tpu.memory_space<vmem_shared>> -> memref<640x64xf32, #tpu.memory_space<vmem_shared>>
        tpu.enqueue_dma source(%dma_start3A_159 : memref<640x64xf32, #tpu.memory_space<vmem_shared>>) target(%dma_start3A_157 : memref<640x64xf32, #tpu.memory_space<hbm>>) target_semaphore(%run_scoped3A : memref<!tpu.dma_semaphore, #tpu.memory_space<semaphore_mem>>)
        %dma_wait3A_160 = arith.constant 0 : i32
        %dma_wait3A_161 = tpu.memref_slice %arg7[%mul3A_148, %dma_wait3A_160] : memref<10240x64xf32, #tpu.memory_space<hbm>> -> memref<640x64xf32, #tpu.memory_space<hbm>>
        %dma_wait3A_162 = arith.constant 0 : i32
        %dma_wait3A_163 = tpu.memref_slice %arg14[%mul3A_148, %dma_wait3A_162] : memref<10240x64xf32, #tpu.memory_space<vmem_shared>> -> memref<640x64xf32, #tpu.memory_space<vmem_shared>>
        tpu.wait_dma2 semaphore(%run_scoped3A : memref<!tpu.dma_semaphore, #tpu.memory_space<semaphore_mem>>) src(%dma_wait3A_163 : memref<640x64xf32, #tpu.memory_space<vmem_shared>>) dst(%dma_wait3A_161 : memref<640x64xf32, #tpu.memory_space<hbm>>)
        tpu.yield
      }) : () -> ()
    } else {
    }
    return
  }
}

module attributes {stable_mosaic.version = 14 : i64} {
  func.func @body(%arg0: i32, %arg1: memref<5000x128xf32, #tpu.memory_space<vmem>>, %arg2: memref<128x64xf32, #tpu.memory_space<vmem>>, %arg3: memref<5000x1xf32, #tpu.memory_space<vmem>>, %arg4: memref<5000x1xf32, #tpu.memory_space<vmem>>, %arg5: memref<5000x64xf32, #tpu.memory_space<vmem>>) attributes {dimension_semantics = [#tpu.dimension_semantics<arbitrary>], iteration_bounds = array<i64: 2>, scalar_prefetch = 0 : i64, scratch_operands = 0 : i64, tpu.core_type = #tpu.core_type<tc>, window_params = [{transform_indices = @transform_0, window_bounds = array<i64: 5000, 128>}, {pipeline_mode = #tpu.pipeline_mode<synchronous>, transform_indices = @transform_1, window_bounds = array<i64: 128, 64>}, {transform_indices = @transform_2, window_bounds = array<i64: 5000, 1>}, {transform_indices = @transform_3, window_bounds = array<i64: 5000, 1>}, {transform_indices = @transform_4, window_bounds = array<i64: 5000, 64>}]} {
    %get3A = arith.constant 0 : index
    %get3A_0 = arith.constant 0 : index
    %get3A_1 = vector.load %arg3[%get3A, %get3A_0] : memref<5000x1xf32, #tpu.memory_space<vmem>>, vector<5000x1xf32>
    %get3A_2 = arith.constant 0 : index
    %get3A_3 = arith.constant 0 : index
    %get3A_4 = vector.load %arg4[%get3A_2, %get3A_3] : memref<5000x1xf32, #tpu.memory_space<vmem>>, vector<5000x1xf32>
    %add3A = arith.addf %get3A_1, %get3A_4 : vector<5000x1xf32>
    %add3A_5 = arith.constant 1.000000e+00 : f32
    %add3A_6 = vector.broadcast %add3A_5 : f32 to vector<5000x1xf32>
    %add3A_7 = arith.addf %add3A, %add3A_6 : vector<5000x1xf32>
    %rsqrt3A = math.rsqrt %add3A_7 : vector<5000x1xf32>
    %get3A_8 = arith.constant 0 : index
    %get3A_9 = arith.constant 0 : index
    %get3A_10 = vector.load %arg1[%get3A_8, %get3A_9] : memref<5000x128xf32, #tpu.memory_space<vmem>>, vector<5000x128xf32>
    %get3A_11 = arith.constant 0 : index
    %get3A_12 = arith.constant 0 : index
    %get3A_13 = vector.load %arg2[%get3A_11, %get3A_12] : memref<128x64xf32, #tpu.memory_space<vmem>>, vector<128x64xf32>
    %dot_general3A = arith.constant dense<0.000000e+00> : vector<5000x64xf32>
    %dot_general3A_14 = tpu.matmul %get3A_10, %get3A_13, %dot_general3A {dimension_numbers = #tpu.dot_dimension_numbers<[1], [0], [0], [1], [0, 0, 1, 1], [], []>, transpose_lhs_hint = false} : vector<5000x128xf32>, vector<128x64xf32>, vector<5000x64xf32> -> vector<5000x64xf32>
    %mul3A = vector.broadcast %rsqrt3A : vector<5000x1xf32> to vector<5000x64xf32>
    %mul3A_15 = arith.mulf %dot_general3A_14, %mul3A : vector<5000x64xf32>
    %swap3A = arith.constant 0 : index
    %swap3A_16 = arith.constant 0 : index
    %swap3A_17 = vector.load %arg5[%swap3A, %swap3A_16] : memref<5000x64xf32, #tpu.memory_space<vmem>>, vector<5000x64xf32>
    tpu.vector_store %arg5[%swap3A, %swap3A_16], %mul3A_15 {strides = array<i32>} : memref<5000x64xf32, #tpu.memory_space<vmem>>, vector<5000x64xf32>,
    return
  }
  func.func @transform_0(%arg0: i32) -> (i32, i32) {
    %c0_i32 = arith.constant 0 : i32
    %c0_i32_0 = arith.constant 0 : i32
    return %arg0, %c0_i32 : i32, i32
  }
  func.func @transform_1(%arg0: i32) -> (i32, i32) {
    %c0_i32 = arith.constant 0 : i32
    %c0_i32_0 = arith.constant 0 : i32
    %c0_i32_1 = arith.constant 0 : i32
    return %c0_i32, %c0_i32_0 : i32, i32
  }
  func.func @transform_2(%arg0: i32) -> (i32, i32) {
    %c0_i32 = arith.constant 0 : i32
    %c0_i32_0 = arith.constant 0 : i32
    return %arg0, %c0_i32 : i32, i32
  }
  func.func @transform_3(%arg0: i32) -> (i32, i32) {
    %c0_i32 = arith.constant 0 : i32
    %c0_i32_0 = arith.constant 0 : i32
    return %arg0, %c0_i32 : i32, i32
  }
  func.func @transform_4(%arg0: i32) -> (i32, i32) {
    %c0_i32 = arith.constant 0 : i32
    %c0_i32_0 = arith.constant 0 : i32
    return %arg0, %c0_i32 : i32, i32
  }
}

module attributes {stable_mosaic.version = 14 : i64} {
  func.func @body(%arg0: i32, %arg1: memref<5000x64xf32, #tpu.memory_space<vmem>>, %arg2: memref<5000x64xf32, #tpu.memory_space<vmem>>, %arg3: memref<5000x64xf32, #tpu.memory_space<vmem>>, %arg4: memref<5000x1xf32, #tpu.memory_space<vmem>>, %arg5: memref<5000x1xf32, #tpu.memory_space<vmem>>, %arg6: memref<1x64xf32, #tpu.memory_space<vmem>>, %arg7: memref<64x48xf32, #tpu.memory_space<vmem>>, %arg8: memref<5000x48xf32, #tpu.memory_space<vmem>>) attributes {dimension_semantics = [#tpu.dimension_semantics<arbitrary>], iteration_bounds = array<i64: 2>, scalar_prefetch = 0 : i64, scratch_operands = 0 : i64, tpu.core_type = #tpu.core_type<tc>, window_params = [{transform_indices = @transform_0, window_bounds = array<i64: 5000, 64>}, {transform_indices = @transform_1, window_bounds = array<i64: 5000, 64>}, {transform_indices = @transform_2, window_bounds = array<i64: 5000, 64>}, {transform_indices = @transform_3, window_bounds = array<i64: 5000, 1>}, {transform_indices = @transform_4, window_bounds = array<i64: 5000, 1>}, {pipeline_mode = #tpu.pipeline_mode<synchronous>, transform_indices = @transform_5, window_bounds = array<i64: 1, 64>}, {pipeline_mode = #tpu.pipeline_mode<synchronous>, transform_indices = @transform_6, window_bounds = array<i64: 64, 48>}, {transform_indices = @transform_7, window_bounds = array<i64: 5000, 48>}]} {
    %get3A = arith.constant 0 : index
    %get3A_0 = arith.constant 0 : index
    %get3A_1 = vector.load %arg4[%get3A, %get3A_0] : memref<5000x1xf32, #tpu.memory_space<vmem>>, vector<5000x1xf32>
    %get3A_2 = arith.constant 0 : index
    %get3A_3 = arith.constant 0 : index
    %get3A_4 = vector.load %arg5[%get3A_2, %get3A_3] : memref<5000x1xf32, #tpu.memory_space<vmem>>, vector<5000x1xf32>
    %add3A = arith.addf %get3A_1, %get3A_4 : vector<5000x1xf32>
    %add3A_5 = arith.constant 1.000000e+00 : f32
    %add3A_6 = vector.broadcast %add3A_5 : f32 to vector<5000x1xf32>
    %add3A_7 = arith.addf %add3A, %add3A_6 : vector<5000x1xf32>
    %rsqrt3A = math.rsqrt %add3A_7 : vector<5000x1xf32>
    %get3A_8 = arith.constant 0 : index
    %get3A_9 = arith.constant 0 : index
    %get3A_10 = vector.load %arg2[%get3A_8, %get3A_9] : memref<5000x64xf32, #tpu.memory_space<vmem>>, vector<5000x64xf32>
    %get3A_11 = arith.constant 0 : index
    %get3A_12 = arith.constant 0 : index
    %get3A_13 = vector.load %arg3[%get3A_11, %get3A_12] : memref<5000x64xf32, #tpu.memory_space<vmem>>, vector<5000x64xf32>
    %add3A_14 = arith.addf %get3A_10, %get3A_13 : vector<5000x64xf32>
    %get3A_15 = arith.constant 0 : index
    %get3A_16 = arith.constant 0 : index
    %get3A_17 = vector.load %arg1[%get3A_15, %get3A_16] : memref<5000x64xf32, #tpu.memory_space<vmem>>, vector<5000x64xf32>
    %add3A_18 = arith.addf %add3A_14, %get3A_17 : vector<5000x64xf32>
    %mul3A = vector.broadcast %rsqrt3A : vector<5000x1xf32> to vector<5000x64xf32>
    %mul3A_19 = arith.mulf %mul3A, %add3A_18 : vector<5000x64xf32>
    %get3A_20 = arith.constant 0 : index
    %get3A_21 = arith.constant 0 : index
    %get3A_22 = vector.load %arg6[%get3A_20, %get3A_21] : memref<1x64xf32, #tpu.memory_space<vmem>>, vector<1x64xf32>
    %add3A_23 = vector.broadcast %get3A_22 : vector<1x64xf32> to vector<5000x64xf32>
    %add3A_24 = arith.addf %mul3A_19, %add3A_23 : vector<5000x64xf32>
    %max3A = arith.constant 0.000000e+00 : f32
    %max3A_25 = vector.broadcast %max3A : f32 to vector<5000x64xf32>
    %max3A_26 = arith.maximumf %add3A_24, %max3A_25 : vector<5000x64xf32>
    %get3A_27 = arith.constant 0 : index
    %get3A_28 = arith.constant 0 : index
    %get3A_29 = vector.load %arg7[%get3A_27, %get3A_28] : memref<64x48xf32, #tpu.memory_space<vmem>>, vector<64x48xf32>
    %dot_general3A = arith.constant dense<0.000000e+00> : vector<5000x48xf32>
    %dot_general3A_30 = tpu.matmul %max3A_26, %get3A_29, %dot_general3A {dimension_numbers = #tpu.dot_dimension_numbers<[1], [0], [0], [1], [0, 0, 1, 1], [], []>, transpose_lhs_hint = false} : vector<5000x64xf32>, vector<64x48xf32>, vector<5000x48xf32> -> vector<5000x48xf32>
    %mul3A_31 = vector.broadcast %rsqrt3A : vector<5000x1xf32> to vector<5000x48xf32>
    %mul3A_32 = arith.mulf %dot_general3A_30, %mul3A_31 : vector<5000x48xf32>
    %swap3A = arith.constant 0 : index
    %swap3A_33 = arith.constant 0 : index
    %swap3A_34 = vector.load %arg8[%swap3A, %swap3A_33] : memref<5000x48xf32, #tpu.memory_space<vmem>>, vector<5000x48xf32>
    tpu.vector_store %arg8[%swap3A, %swap3A_33], %mul3A_32 {strides = array<i32>} : memref<5000x48xf32, #tpu.memory_space<vmem>>, vector<5000x48xf32>,
    return
  }
  func.func @transform_0(%arg0: i32) -> (i32, i32) {
    %c0_i32 = arith.constant 0 : i32
    %c0_i32_0 = arith.constant 0 : i32
    return %arg0, %c0_i32 : i32, i32
  }
  func.func @transform_1(%arg0: i32) -> (i32, i32) {
    %c0_i32 = arith.constant 0 : i32
    %c0_i32_0 = arith.constant 0 : i32
    return %arg0, %c0_i32 : i32, i32
  }
  func.func @transform_2(%arg0: i32) -> (i32, i32) {
    %c0_i32 = arith.constant 0 : i32
    %c0_i32_0 = arith.constant 0 : i32
    return %arg0, %c0_i32 : i32, i32
  }
  func.func @transform_3(%arg0: i32) -> (i32, i32) {
    %c0_i32 = arith.constant 0 : i32
    %c0_i32_0 = arith.constant 0 : i32
    return %arg0, %c0_i32 : i32, i32
  }
  func.func @transform_4(%arg0: i32) -> (i32, i32) {
    %c0_i32 = arith.constant 0 : i32
    %c0_i32_0 = arith.constant 0 : i32
    return %arg0, %c0_i32 : i32, i32
  }
  func.func @transform_5(%arg0: i32) -> (i32, i32) {
    %c0_i32 = arith.constant 0 : i32
    %c0_i32_0 = arith.constant 0 : i32
    %c0_i32_1 = arith.constant 0 : i32
    return %c0_i32, %c0_i32_0 : i32, i32
  }
  func.func @transform_6(%arg0: i32) -> (i32, i32) {
    %c0_i32 = arith.constant 0 : i32
    %c0_i32_0 = arith.constant 0 : i32
    %c0_i32_1 = arith.constant 0 : i32
    return %c0_i32, %c0_i32_0 : i32, i32
  }
  func.func @transform_7(%arg0: i32) -> (i32, i32) {
    %c0_i32 = arith.constant 0 : i32
    %c0_i32_0 = arith.constant 0 : i32
    return %arg0, %c0_i32 : i32, i32
  }
}

module attributes {stable_mosaic.version = 14 : i64} {
  func.func @body(%arg0: i32, %arg1: memref<5000x48xf32, #tpu.memory_space<vmem>>, %arg2: memref<5000x48xf32, #tpu.memory_space<vmem>>, %arg3: memref<5000x48xf32, #tpu.memory_space<vmem>>, %arg4: memref<5000x1xf32, #tpu.memory_space<vmem>>, %arg5: memref<5000x1xf32, #tpu.memory_space<vmem>>, %arg6: memref<1x48xf32, #tpu.memory_space<vmem>>, %arg7: memref<5000x40xf32, #tpu.memory_space<vmem>>) attributes {dimension_semantics = [#tpu.dimension_semantics<arbitrary>], iteration_bounds = array<i64: 2>, scalar_prefetch = 0 : i64, scratch_operands = 0 : i64, tpu.core_type = #tpu.core_type<tc>, window_params = [{transform_indices = @transform_0, window_bounds = array<i64: 5000, 48>}, {transform_indices = @transform_1, window_bounds = array<i64: 5000, 48>}, {transform_indices = @transform_2, window_bounds = array<i64: 5000, 48>}, {transform_indices = @transform_3, window_bounds = array<i64: 5000, 1>}, {transform_indices = @transform_4, window_bounds = array<i64: 5000, 1>}, {pipeline_mode = #tpu.pipeline_mode<synchronous>, transform_indices = @transform_5, window_bounds = array<i64: 1, 48>}, {transform_indices = @transform_6, window_bounds = array<i64: 5000, 40>}]} {
    %get3A = arith.constant 0 : index
    %get3A_0 = arith.constant 0 : index
    %get3A_1 = vector.load %arg4[%get3A, %get3A_0] : memref<5000x1xf32, #tpu.memory_space<vmem>>, vector<5000x1xf32>
    %get3A_2 = arith.constant 0 : index
    %get3A_3 = arith.constant 0 : index
    %get3A_4 = vector.load %arg5[%get3A_2, %get3A_3] : memref<5000x1xf32, #tpu.memory_space<vmem>>, vector<5000x1xf32>
    %add3A = arith.addf %get3A_1, %get3A_4 : vector<5000x1xf32>
    %add3A_5 = arith.constant 1.000000e+00 : f32
    %add3A_6 = vector.broadcast %add3A_5 : f32 to vector<5000x1xf32>
    %add3A_7 = arith.addf %add3A, %add3A_6 : vector<5000x1xf32>
    %rsqrt3A = math.rsqrt %add3A_7 : vector<5000x1xf32>
    %get3A_8 = arith.constant 0 : index
    %get3A_9 = arith.constant 0 : index
    %get3A_10 = vector.load %arg2[%get3A_8, %get3A_9] : memref<5000x48xf32, #tpu.memory_space<vmem>>, vector<5000x48xf32>
    %get3A_11 = arith.constant 0 : index
    %get3A_12 = arith.constant 0 : index
    %get3A_13 = vector.load %arg3[%get3A_11, %get3A_12] : memref<5000x48xf32, #tpu.memory_space<vmem>>, vector<5000x48xf32>
    %add3A_14 = arith.addf %get3A_10, %get3A_13 : vector<5000x48xf32>
    %get3A_15 = arith.constant 0 : index
    %get3A_16 = arith.constant 0 : index
    %get3A_17 = vector.load %arg1[%get3A_15, %get3A_16] : memref<5000x48xf32, #tpu.memory_space<vmem>>, vector<5000x48xf32>
    %add3A_18 = arith.addf %add3A_14, %get3A_17 : vector<5000x48xf32>
    %mul3A = vector.broadcast %rsqrt3A : vector<5000x1xf32> to vector<5000x48xf32>
    %mul3A_19 = arith.mulf %mul3A, %add3A_18 : vector<5000x48xf32>
    %get3A_20 = arith.constant 0 : index
    %get3A_21 = arith.constant 0 : index
    %get3A_22 = vector.load %arg6[%get3A_20, %get3A_21] : memref<1x48xf32, #tpu.memory_space<vmem>>, vector<1x48xf32>
    %add3A_23 = vector.broadcast %get3A_22 : vector<1x48xf32> to vector<5000x48xf32>
    %add3A_24 = arith.addf %mul3A_19, %add3A_23 : vector<5000x48xf32>
    %slice3A = vector.extract_strided_slice %add3A_24 {offsets = [0, 0], sizes = [5000, 40], strides = [1, 1]} : vector<5000x48xf32> to vector<5000x40xf32>
    %swap3A = arith.constant 0 : index
    %swap3A_25 = arith.constant 0 : index
    %swap3A_26 = vector.load %arg7[%swap3A, %swap3A_25] : memref<5000x40xf32, #tpu.memory_space<vmem>>, vector<5000x40xf32>
    tpu.vector_store %arg7[%swap3A, %swap3A_25], %slice3A {strides = array<i32>} : memref<5000x40xf32, #tpu.memory_space<vmem>>, vector<5000x40xf32>,
    return
  }
  func.func @transform_0(%arg0: i32) -> (i32, i32) {
    %c0_i32 = arith.constant 0 : i32
    %c0_i32_0 = arith.constant 0 : i32
    return %arg0, %c0_i32 : i32, i32
  }
  func.func @transform_1(%arg0: i32) -> (i32, i32) {
    %c0_i32 = arith.constant 0 : i32
    %c0_i32_0 = arith.constant 0 : i32
    return %arg0, %c0_i32 : i32, i32
  }
  func.func @transform_2(%arg0: i32) -> (i32, i32) {
    %c0_i32 = arith.constant 0 : i32
    %c0_i32_0 = arith.constant 0 : i32
    return %arg0, %c0_i32 : i32, i32
  }
  func.func @transform_3(%arg0: i32) -> (i32, i32) {
    %c0_i32 = arith.constant 0 : i32
    %c0_i32_0 = arith.constant 0 : i32
    return %arg0, %c0_i32 : i32, i32
  }
  func.func @transform_4(%arg0: i32) -> (i32, i32) {
    %c0_i32 = arith.constant 0 : i32
    %c0_i32_0 = arith.constant 0 : i32
    return %arg0, %c0_i32 : i32, i32
  }
  func.func @transform_5(%arg0: i32) -> (i32, i32) {
    %c0_i32 = arith.constant 0 : i32
    %c0_i32_0 = arith.constant 0 : i32
    %c0_i32_1 = arith.constant 0 : i32
    return %c0_i32, %c0_i32_0 : i32, i32
  }
  func.func @transform_6(%arg0: i32) -> (i32, i32) {
    %c0_i32 = arith.constant 0 : i32
    %c0_i32_0 = arith.constant 0 : i32
    return %arg0, %c0_i32 : i32, i32
  }
}

</mosaic_0001>

<sc_bundles>
// kernel: kernel.11.cloned.1.call-start
scs
__scs_entry_jumppad:
0x0: {  	(pc) =	sbr.rel $0x88, $3  }
0x1: {  	(tag) =	ssettag $0x0;
	lr =	simm.s32 $0x1  }
0x2: {  	[smem:$0x3F9B] =	sst lr;
	_ =	strace $0xD0000000  }
0x3: {  	_ = 	snop  }
0x4: {  	_ = 	snop  }
0x5: {  	_ = 	snop  }
0x6: {  	_ = 	snop  }
0x7: {  	_ = 	snop  }
__scs_overlays_trampoline_lowered:
0x8: {  	[smem:$0x3FAA] =	sst s0  }
0x9: {  	[smem:$0x3FAB] =	sst s1  }
0xa: {  	[smem:$0x3FAC] =	sst s2  }
0xb: {  	[smem:$0x3FAD] =	sst s3  }
0xc: {  	[smem:$0x3FAE] =	sst s4  }
0xd: {  	[smem:$0x3FAF] =	sst s5  }
0xe: {  	[smem:$0x3FB0] =	sst s6  }
0xf: {  	[smem:$0x3FB1] =	sst s7  }
0x10: {  	[smem:$0x3FB2] =	sst s8  }
0x11: {  	[smem:$0x3FB3] =	sst s9;
	s0 =	simm.s32 @!p0 $0x0  }
0x12: {  	s1 =	sld [smem:$0x3F99];
	s0 =	simm.s32 @p0 $0x1  }
0x13: {  	[smem:$0x3FB4] =	sst s0;
	s0 =	simm.s32 @!p1 $0x0  }
0x14: {  	s2 =	sld [smem:$0x3F98];
	s0 =	simm.s32 @p1 $0x1  }
0x15: {  	[smem:$0x3FB5] =	sst s0;
	s0 =	simm.s32 @!p2 $0x0  }
0x16: {  	s3 =	sld [smem:$0x3FDB];
	s0 =	simm.s32 @p2 $0x1  }
0x17: {  	s4 =	simm.s32 $0x1BF5;
	[smem:$0x3FB7] =	sst s0  }
0x18: {  	s0 =	sld [smem:$0x3F9A];
	_ =	swait.ge [sflag:s4], $0x0  }
0x19: {  	s7 =	sld [smem:$0x3F9B]  }
0x1a: {  	s8 =	sadd.s32 $0xFFFFE003, lr  }
0x1b: {  	s9 =	sadd.s32 $0xFFFFFEF7, lr;
	s5 =	simm.s32 $0xFFFFFFFF;
	p2 =	slt.u32 s8, $0xFFFFF086  }
0x1c: {  	p1 =	slt.u32 s9, $0xF7A;
	s5 =	simm.s32 @!p2 $0x0  }
0x1d: {  	s5 =	simm.s32 @p1 $0x1;
	p0 =	seq.s32 s7, s2  }
0x1e: {  	s7 =	smul.u32 @!p0 $0xF7A, s2;
	p2 =	seq.s32 @!p0 s5, $0x0  }
0x1f: {  	s9 =	smul.u32 $0xF7A, s1;
	s8 =	simm.s32 @!p0 $0x1BF5;
	p2 =	por !p2, p0  }
0x20: {  	[sflag:s8] =	ssyncset.s32 @!p0 $0xFFFFF086;
	s6 =	sadd.s32 @!p0 s3, s7;
	s7 =	simm.s32 @!p0 $0x108  }
0x21: {  	s3 =	sadd.s32 s3, s9;
	s6 =	sadd.s32 @!p0 $0x88, s6;
	s7 =	simm.s32 @p2 $0x1082  }
0x22: {  	[simem:s7], [sflag:s8] =	dma.local @!p0 [hbm:s6], $0xF7A  }
0x23: {  	s9 =	sor.u32 $0xD0000000, s2;
	s6 =	simm.s32 $0x108;
	_ =	swait.ge @!p0 [sflag:s8], $0x0  }
0x24: {  	s3 =	sadd.s32 $0x88, s3;
	s6 =	simm.s32 @!p1 $0x1082;
	[sflag:s4] =	ssyncset.s32 $0xFFFFF086  }
0x25: {  	[simem:s6], [sflag:s4] =	dma.local [hbm:s3], $0xF7A  }
0x26: {  	[smem:$0x3F9B] =	sst s1;
	(tag) =	ssettag s2;
	_ =	strace s9  }
0x27: {  	s1 =	sld [smem:$0x3FAB]  }
0x28: {  	s2 =	sld [smem:$0x3FAC]  }
0x29: {  	s4 =	sld [smem:$0x3FAE]  }
0x2a: {  	p0 =	seq.s32 s5, $0x0;
	s5 =	sld [smem:$0x3FAF]  }
0x2b: {  	s6 =	sld [smem:$0x3FB0]  }
0x2c: {  	s7 =	sld [smem:$0x3FB1]  }
0x2d: {  	s3 =	simm.s32 $0x108;
	s8 =	sld [smem:$0x3FB2]  }
0x2e: {  	s3 =	simm.s32 @!p0 $0x1082;
	s9 =	sld [smem:$0x3FB3]  }
0x2f: {  	lr =	sadd.s32 s0, s3;
	s0 =	sld [smem:$0x3FAA]  }
0x30: {  	s3 =	sld [smem:$0x3FAD]  }
0x31: {  	[smem:$0x3FB6] =	sst s10  }
0x32: {  	s10 =	sld [smem:$0x3FB4];
	_ =	sdelay $0x3  }
0x33: {  	p0 =	seq.s32 s10, $0x1;
	s10 =	sld [smem:$0x3FB6];
	_ =	sdelay $0x3  }
0x34: {  	[smem:$0x3FB6] =	sst s10  }
0x35: {  	s10 =	sld [smem:$0x3FB5];
	_ =	sdelay $0x3  }
0x36: {  	p1 =	seq.s32 s10, $0x1;
	s10 =	sld [smem:$0x3FB6];
	_ =	sdelay $0x3  }
0x37: {  	[smem:$0x3FB6] =	sst s10  }
0x38: {  	s10 =	sld [smem:$0x3FB7]  }
0x39: {  	_ = 	snop;
	(pc) =	sbr.ind lr, $3  }
0x3a: {  	_ = 	snop  }
0x3b: {  	_ = 	snop  }
0x3c: {  	p2 =	seq.s32 s10, $0x1;
	s10 =	sld [smem:$0x3FB6]  }
0x3d: {  	_ =	shalt  }
0x3e: {  	_ =	shalt  }
0x3f: {  	_ =	shalt  }
0x40: {  	_ =	shalt  }
0x41: {  	_ =	shalt  }
0x42: {  	_ =	shalt  }
0x43: {  	_ =	shalt  }
0x44: {  	_ =	shalt  }
0x45: {  	_ =	shalt  }
0x46: {  	_ =	shalt  }
0x47: {  	_ =	shalt  }
0x48: {  	_ =	shalt  }
0x49: {  	_ =	shalt  }
0x4a: {  	_ =	shalt  }
0x4b: {  	_ =	shalt  }
0x4c: {  	_ =	shalt  }
0x4d: {  	_ =	shalt  }
0x4e: {  	_ =	shalt  }
0x4f: {  	_ =	shalt  }
0x50: {  	_ =	shalt  }
0x51: {  	_ =	shalt  }
0x52: {  	_ =	shalt  }
0x53: {  	_ =	shalt  }
0x54: {  	_ =	shalt  }
0x55: {  	_ =	shalt  }
0x56: {  	_ =	shalt  }
0x57: {  	_ =	shalt  }
0x58: {  	_ =	shalt  }
0x59: {  	_ =	shalt  }
0x5a: {  	_ =	shalt  }
0x5b: {  	_ =	shalt  }
0x5c: {  	_ =	shalt  }
0x5d: {  	_ =	shalt  }
0x5e: {  	_ =	shalt  }
0x5f: {  	_ =	shalt  }
0x60: {  	_ =	shalt  }
0x61: {  	_ =	shalt  }
0x62: {  	_ =	shalt  }
0x63: {  	_ =	shalt  }
0x64: {  	_ =	shalt  }
0x65: {  	_ =	shalt  }
0x66: {  	_ =	shalt  }
0x67: {  	_ =	shalt  }
0x68: {  	_ =	shalt  }
0x69: {  	_ =	shalt  }
0x6a: {  	_ =	shalt  }
0x6b: {  	_ =	shalt  }
0x6c: {  	_ =	shalt  }
0x6d: {  	_ =	shalt  }
0x6e: {  	_ =	shalt  }
0x6f: {  	_ =	shalt  }
0x70: {  	_ =	shalt  }
0x71: {  	_ =	shalt  }
0x72: {  	_ =	shalt  }
0x73: {  	_ =	shalt  }
0x74: {  	_ =	shalt  }
0x75: {  	_ =	shalt  }
0x76: {  	_ =	shalt  }
0x77: {  	_ =	shalt  }
0x78: {  	_ =	shalt  }
0x79: {  	_ =	shalt  }
0x7a: {  	_ =	shalt  }
0x7b: {  	_ =	shalt  }
0x7c: {  	_ =	shalt  }
0x7d: {  	_ =	shalt  }
0x7e: {  	_ =	shalt  }
0x7f: {  	_ =	shalt  }
0x80: {  	_ =	shalt  }
0x81: {  	_ =	shalt  }
0x82: {  	_ =	shalt  }
0x83: {  	_ =	shalt  }
0x84: {  	_ =	shalt  }
0x85: {  	_ =	shalt  }
0x86: {  	_ =	shalt  }
0x87: {  	_ =	shalt  }
.Lfunc_end0:
.L_simem_size_0:
called_computation.1_lowered:
.L_overlay_start_0:
0x88: {  	s2 =	sld [smem:$0x3FD9]  }
0x89: {  	s3 =	sld [smem:$0x3FFE];
	_ =	sdelay $0x1  }
0x8a: {  	s1 =	srdreg.scid  }
0x8b: {  	s0 =	sand.u32 $0x1, s1  }
0x8c: {  	s17 =	sshll.u32 s0, $0xA;
	s2 =	sadd.s32 s3, s2  }
0x8d: {  	s2 =	sadd.s32 s2, s17  }
0x8e: {  	[smem:$0x3FC2] =	sst s2  }
0x8f: {  	_ = 	snop  }
0x90: {  	s2 =	sld [smem:$0x3FD0];
	(tm) =	ssettm $0x1  }
0x91: {  	s18 =	sld [smem:$0x3FFB];
	_ =	sdelay $0x3  }
0x92: {  	_ =	strace s18  }
0x93: {  	s3 =	sld [smem:$0x3FFC];
	_ =	sdelay $0x3  }
0x94: {  	_ =	strace s3  }
0x95: {  	s3 =	sld [smem:$0x3FFD];
	_ =	sdelay $0x3  }
0x96: {  	_ =	strace s3  }
0x97: {  	_ =	strace $0x8FFFFFFF  }
0x98: {  	s19 =	sld [smem:$0x3FDB];
	_ =	sdelay $0x1  }
0x99: {  	s4 =	simm.s32 $_scs_section_size  }
0x9a: {  	s5 =	simm.s32 $_size__tile_overlayer_lowered;
	s6 =	simm.s32 $_tile_overlayer_lowered  }
0x9b: {  	s22 =	simm.s32 $0x1BFF;
	s21 =	sshll.u32 s6, $0x1;
	s3 =	sadd.s32 s4, s19  }
0x9c: {  	s7 =	simm.s32 $0x0;
	s20 =	sshll.u32 s5, $0x1;
	s5 =	sadd.s32 s21, s3  }
0x9d: {  	[timem:s7], [sflag:s22] =	dma.local [hbm:s5], s20  }
0x9e: {  	_ =	swait.ge [sflag:s22], s20  }
0x9f: {  	s4 =	ssub.s32 $0x0, s20;
	[sflag:s22] =	ssyncset.done $0x0  }
0xa0: {  	[sflag:s22] =	ssyncadd.s32 s4;
	_ =	sdelay $0x1  }
0xa1: {  	s23 =	simm.s32 $0x1B8B  }
0xa2: {  	_ =	swait.ge [sflag:s23], $0x1  }
0xa3: {  	[sflag:s23] =	ssyncset.done $0x0  }
0xa4: {  	s25 =	simm.s32 $0x1B8E;
	s24 =	sld [smem:$0x3FFE];
	[sflag:s23] =	ssyncadd.s32 $0xFFFFFFFF  }
0xa5: {  	s26 =	simm.s32 $execute0_lowered;
	[smem:$0x3FD2] =	sst s25  }
0xa6: {  	s5 =	sshll.u32 s26, $0x1;
	_ =	strace $0x80000049;
	[dreg:$0x1] =	wrdreg $0xFFFFFFFF  }
0xa7: {  	s28 =	simm.s32 $_size_execute0_lowered;
	s3 =	sadd.s32 s3, s5;
	[dreg:$0x0] =	wrdreg $0x0  }
0xa8: {  	s5 =	sshll.u32 s28, $0x1;
	[dreg:$0x2] =	wrdreg s3  }
0xa9: {  	[dreg:$0x3] =	wrdreg s5  }
0xaa: {  	[dreg:$0x4] =	wrdreg $0xC0  }
0xab: {  	_ =	task [dreg:s7], $0x5FFFF  }
0xac: {  	[dreg:$0x1] =	wrdreg $0xFFFFFFFF  }
0xad: {  	[dreg:$0x0] =	wrdreg $0x60  }
0xae: {  	[dreg:$0x2] =	wrdreg s24  }
0xaf: {  	[dreg:$0x3] =	wrdreg s2  }
0xb0: {  	[dreg:$0x4] =	wrdreg $0x9E200  }
0xb1: {  	[dreg:$0x5] =	wrdreg $0x9  }
0xb2: {  	_ =	task.clear_ibuf [dreg:s7], $0x6FFFF;
	_ =	strace $0x90000049  }
0xb3: {  	s29 =	simm.s32 $0x9;
	_ =	strace $0x8000004B  }
0xb4: {  	_ =	swait.ge [sflag:s29], $0x1  }
0xb5: {  	[sflag:s29] =	ssyncadd.s32 $0xFFFFFFFF  }
0xb6: {  	_ =	strace $0x9000004B  }
0xb7: {  	_ =	sfence  }
0xb8: {  	s30 =	sld [smem:$0x0];
	_ =	sdelay $0x2  }
0xb9: {  	s31 =	sshll.u32 s1, $0xD;
	s1 =	sshrl.u32 s1, $0x2  }
0xba: {  	s3 =	sand.u32 $0x4000, s31;
	s1 =	sadd.s32 s1, s30  }
0xbb: {  	s0 =	sor.u32 s3, s0;
	s1 =	sshll.u32 s1, $0x11  }
0xbc: {  	s0 =	sor.u32 s1, s0  }
0xbd: {  	s0 =	sadd.s32 $0x8F2B, s0  }
0xbe: {  	[sflag:s0] =	ssyncadd.remote.s32 $0x1  }
0xbf: {  	_ =	sfence.sel $0xFFFF  }
0xc0: {  	[dreg:$0x0] =	wrdreg $0xFFFFFFFF;
	(pc) =	sbr.abs _section_cstart, $3  }
0xc1: {  	[dreg:$0x1] =	wrdreg $0xFFFFFFFF  }
0xc2: {  	_ =	task.clear_ibuf [dreg:s7], $0x2FFFF;
	_ =	strace $0x9FFFFFFF  }
0xc3: {  	(tm) =	ssettm $0x7FFFFFFF  }
tec
execute0_lowered:
.L_overlay_start_1:
0x0: {  	(tag) =	ssettag $0x1  }
0x1: {  	s0 =	rddreg [dreg:$0x0]  }
0x2: {  	s1 =	rddreg [dreg:$0x1]  }
0x3: {  	s3 =	srdreg.scid;
	s11 =	stileid.u32  }
0x4: {  	s2 =	rddreg [dreg:$0x2];
	s14 =	simm.s32 $0x50;
	s15 =	simm.s32 $0x4E20  }
0x5: {  	s16 =	simm.s32 $0x6220;
	s18 =	simm.s32 $0x7620;
	s19 =	simm.s32 $0x1  }
0x6: {  	s20 =	simm.s32 $0xF0;
	s21 =	simm.s32 $0x8A20;
	s22 =	simm.s32 $0x2  }
0x7: {  	s23 =	simm.s32 $0x2760;
	s28 =	simm.s32 $0x4D30;
	s29 =	simm.s32 $0x4D80  }
0x8: {  	s30 =	simm.s32 $0x4DD0;
	s31 =	simm.s32 $0x0;
	s6 =	sand.u32 $0x1, s3  }
0x9: {  	s4 =	sshll.u32 s11, $0x1;
	s3 =	simm.s32 $0x0;
	s7 =	smul.u32 $0x1400, s11  }
0xa: {  	s24 =	smul.u32 $0xA000, s11;
	s26 =	sshll.u32 s11, $0x6;
	s11 =	simm.s32 $0x2710  }
0xb: {  	s4 =	sor.u32 s6, s4;
	[smem:$0x7FF] =	sst s3;
	s8 =	ssub.s32 $0x2, s6  }
0xc: {  	p0 =	seq.s32 s6, $0x1;
	s12 =	sor.u32 $0x1C05, s26;
	s26 =	simm.s32 $0x26C0  }
0xd: {  	s5 =	smul.u32 $0x4E2, s4;
	_ =	strace $0x8000004A;
	s4 =	sadd.s32 $0x95800, s0  }
0xe: {  	s10 =	sshrl.u32 s8, $0x1;
	s7 =	sadd.s32 s7, s0;
	s13 =	sadd.s32 s24, s2  }
0xf: {  	s25 =	sshrl.u32 s24, $0x3;
	s24 =	simm.s32 $0x3;
	s8 =	ssub.s32 s8, s10  }
0x10: {  	s9 =	sadd.s32 s5, s0;
	s5 =	sadd.s32 s1, s5;
	s1 =	simm.s32 $0xBD200  }
0x11: {  	s7 =	sadd.s32 $0xA9200, s7;
	s10 =	simm.s32 $0x5;
	s1 =	simm.s32 @!p0 $0xD1200  }
0x12: {  	s13 =	sshrl.u32 s13, $0x3;
	s8 =	smax.u32 s8, $0x1;
	s0 =	sadd.s32 s1, s0  }
0x13: {  	s6 =	sadd.s32 $0x3600, s9;
	s9 =	sadd.s32 s0, s25;
	s25 =	simm.s32 $0x4  }
.LBB2_1:
0x14: {  	[tilespmem:s3], [sflag:$0x5] =	stream.linear.gather [hbm4b:s5+s3], $0x2710, $0x38;
	[tilespmem:$0x13E20] =	vst v63  }
0x15: {  	_ =	swait.ge [sflag:s10], $0x2710  }
0x16: {  	[sflag:s10] =	ssyncset.done $0x0  }
0x17: {  	[sflag:s10] =	ssyncadd.s32 $0xFFFFD8F0  }
0x18: {  	[tilespmem:s11], [sflag:$0x5] =	stream.linear.gather [hbm4b:s6+s3], $0x2710, $0x38;
	[tilespmem:$0x13E20] =	vst v63  }
0x19: {  	_ =	swait.ge [sflag:s10], $0x2710  }
0x1a: {  	[sflag:s10] =	ssyncset.done $0x0  }
0x1b: {  	[sflag:s10] =	ssyncadd.s32 $0xFFFFD8F0  }
0x1c: {  	[spmem:s13], [sflag:s12] =	dma.local [hbm:s7], $0x1400  }
0x1d: {  	_ =	swait.ge [sflag:s10], $0x1400  }
0x1e: {  	[sflag:s10] =	ssyncset.done $0x0  }
0x1f: {  	[sflag:s10] =	ssyncadd.s32 $0xFFFFEC00  }
0x20: {  	[bflag:$0x0] =	sbarrier.arrive $0xFFFF  }
0x21: {  	[tilespmem:s15], [sflag:$0x1] =	stream.indirect.gather [hbm4b:s4+s14], $0x40, s3, s14, $0xb8;
	[tilespmem:$0x13E20] =	vst v63  }
0x22: {  	_ = 	snop  }
0x23: {  	[tilespmem:s16], [sflag:$0x2] =	stream.indirect.gather [hbm4b:s4+s14], $0x40, s14, s14, $0xb8;
	[tilespmem:$0x13E20] =	vst v63  }
0x24: {  	s0 =	simm.s32 $0xA0  }
0x25: {  	[tilespmem:s18], [sflag:$0x3] =	stream.indirect.gather [hbm4b:s4+s14], $0x40, s0, s14, $0xb8;
	[tilespmem:$0x13E20] =	vst v63  }
0x26: {  	_ =	swait.ge [sflag:s19], $0x1400  }
0x27: {  	[sflag:s19] =	ssyncset.done $0x0  }
0x28: {  	[sflag:s19] =	ssyncadd.s32 $0xFFFFEC00  }
0x29: {  	[spmem:s2] =	stream.indirect.scatter.add.f32 [tilespmem:s15], [sflag:$0x1], $0x40, s11, s14, $0xb8;
	[tilespmem:$0x13E20] =	vst v63  }
0x2a: {  	_ = 	snop  }
0x2b: {  	[tilespmem:s21], [sflag:$0x4] =	stream.indirect.gather [hbm4b:s4+s14], $0x40, s20, s14, $0xb8;
	[tilespmem:$0x13E20] =	vst v63  }
0x2c: {  	_ =	swait.ge [sflag:s22], $0x1400  }
0x2d: {  	[sflag:s22] =	ssyncset.done $0x0  }
0x2e: {  	[sflag:s22] =	ssyncadd.s32 $0xFFFFEC00  }
0x2f: {  	[spmem:s2] =	stream.indirect.scatter.add.f32 [tilespmem:s16], [sflag:$0x2], $0x40, s23, s14, $0xb8;
	[tilespmem:$0x13E20] =	vst v63  }
0x30: {  	_ =	swait.ge [sflag:s19], $0x1400  }
0x31: {  	[sflag:s19] =	ssyncset.done $0x0  }
0x32: {  	s17 =	simm.s32 $0x140;
	[sflag:s19] =	ssyncadd.s32 $0xFFFFEC00  }
0x33: {  	[tilespmem:s15], [sflag:$0x1] =	stream.indirect.gather [hbm4b:s4+s14], $0x40, s17, s14, $0xb8;
	[tilespmem:$0x13E20] =	vst v63  }
0x34: {  	_ =	swait.ge [sflag:s24], $0x1400  }
0x35: {  	[sflag:s24] =	ssyncset.done $0x0  }
0x36: {  	s1 =	simm.s32 $0x27B0;
	[sflag:s24] =	ssyncadd.s32 $0xFFFFEC00  }
0x37: {  	[spmem:s2] =	stream.indirect.scatter.add.f32 [tilespmem:s18], [sflag:$0x3], $0x40, s1, s14, $0xb8;
	[tilespmem:$0x13E20] =	vst v63  }
0x38: {  	_ =	swait.ge [sflag:s22], $0x1400  }
0x39: {  	[sflag:s22] =	ssyncset.done $0x0  }
0x3a: {  	s17 =	simm.s32 $0x190;
	[sflag:s22] =	ssyncadd.s32 $0xFFFFEC00  }
0x3b: {  	[tilespmem:s16], [sflag:$0x2] =	stream.indirect.gather [hbm4b:s4+s14], $0x40, s17, s14, $0xb8;
	[tilespmem:$0x13E20] =	vst v63  }
0x3c: {  	_ =	swait.ge [sflag:s25], $0x1400  }
0x3d: {  	[sflag:s25] =	ssyncset.done $0x0  }
0x3e: {  	s1 =	simm.s32 $0x2800;
	[sflag:s25] =	ssyncadd.s32 $0xFFFFEC00  }
0x3f: {  	[spmem:s2] =	stream.indirect.scatter.add.f32 [tilespmem:s21], [sflag:$0x4], $0x40, s1, s14, $0xb8;
	[tilespmem:$0x13E20] =	vst v63  }
0x40: {  	_ =	swait.ge [sflag:s24], $0x1400  }
0x41: {  	[sflag:s24] =	ssyncset.done $0x0  }
0x42: {  	s17 =	simm.s32 $0x1E0;
	[sflag:s24] =	ssyncadd.s32 $0xFFFFEC00  }
0x43: {  	[tilespmem:s18], [sflag:$0x3] =	stream.indirect.gather [hbm4b:s4+s14], $0x40, s17, s14, $0xb8;
	[tilespmem:$0x13E20] =	vst v63  }
0x44: {  	_ =	swait.ge [sflag:s19], $0x1400  }
0x45: {  	[sflag:s19] =	ssyncset.done $0x0  }
0x46: {  	s1 =	simm.s32 $0x2850;
	[sflag:s19] =	ssyncadd.s32 $0xFFFFEC00  }
0x47: {  	[spmem:s2] =	stream.indirect.scatter.add.f32 [tilespmem:s15], [sflag:$0x1], $0x40, s1, s14, $0xb8;
	[tilespmem:$0x13E20] =	vst v63  }
0x48: {  	_ =	swait.ge [sflag:s25], $0x1400  }
0x49: {  	[sflag:s25] =	ssyncset.done $0x0  }
0x4a: {  	s17 =	simm.s32 $0x230;
	[sflag:s25] =	ssyncadd.s32 $0xFFFFEC00  }
0x4b: {  	[tilespmem:s21], [sflag:$0x4] =	stream.indirect.gather [hbm4b:s4+s14], $0x40, s17, s14, $0xb8;
	[tilespmem:$0x13E20] =	vst v63  }
0x4c: {  	_ =	swait.ge [sflag:s22], $0x1400  }
0x4d: {  	[sflag:s22] =	ssyncset.done $0x0  }
0x4e: {  	s0 =	simm.s32 $0x28A0;
	s1 =	simm.s32 $0x500;
	[sflag:s22] =	ssyncadd.s32 $0xFFFFEC00  }
.LBB2_2:
0x4f: {  	[spmem:s2] =	stream.indirect.scatter.add.f32 [tilespmem:s16], [sflag:$0x2], $0x40, s0, s14, $0xb8;
	[tilespmem:$0x13E20] =	vst v63  }
0x50: {  	s0 =	smov.u32 s1  }
0x51: {  	p0 =	sne.s32 s1, $0x9100;
	s1 =	sadd.s32 $0x500, s1;
	_ =	swait.ge [sflag:s19], $0x1400  }
0x52: {  	s0 =	sshra.s32 s0, $0x2;
	[sflag:s19] =	ssyncset.done $0x0  }
0x53: {  	s17 =	sadd.s32 $0x140, s0;
	[sflag:s19] =	ssyncadd.s32 $0xFFFFEC00  }
0x54: {  	[tilespmem:s15], [sflag:$0x1] =	stream.indirect.gather [hbm4b:s4+s14], $0x40, s17, s14, $0xb8;
	[tilespmem:$0x13E20] =	vst v63  }
0x55: {  	_ =	swait.ge [sflag:s24], $0x1400  }
0x56: {  	[sflag:s24] =	ssyncset.done $0x0  }
0x57: {  	s17 =	sadd.s32 $0x27B0, s0;
	[sflag:s24] =	ssyncadd.s32 $0xFFFFEC00  }
0x58: {  	[spmem:s2] =	stream.indirect.scatter.add.f32 [tilespmem:s18], [sflag:$0x3], $0x40, s17, s14, $0xb8;
	[tilespmem:$0x13E20] =	vst v63  }
0x59: {  	_ =	swait.ge [sflag:s22], $0x1400  }
0x5a: {  	[sflag:s22] =	ssyncset.done $0x0  }
0x5b: {  	s17 =	sadd.s32 $0x190, s0;
	[sflag:s22] =	ssyncadd.s32 $0xFFFFEC00  }
0x5c: {  	[tilespmem:s16], [sflag:$0x2] =	stream.indirect.gather [hbm4b:s4+s14], $0x40, s17, s14, $0xb8;
	[tilespmem:$0x13E20] =	vst v63  }
0x5d: {  	_ =	swait.ge [sflag:s25], $0x1400  }
0x5e: {  	[sflag:s25] =	ssyncset.done $0x0  }
0x5f: {  	s17 =	sadd.s32 $0x2800, s0;
	[sflag:s25] =	ssyncadd.s32 $0xFFFFEC00  }
0x60: {  	[spmem:s2] =	stream.indirect.scatter.add.f32 [tilespmem:s21], [sflag:$0x4], $0x40, s17, s14, $0xb8;
	[tilespmem:$0x13E20] =	vst v63  }
0x61: {  	_ =	swait.ge [sflag:s24], $0x1400  }
0x62: {  	[sflag:s24] =	ssyncset.done $0x0  }
0x63: {  	s17 =	sadd.s32 $0x1E0, s0;
	[sflag:s24] =	ssyncadd.s32 $0xFFFFEC00  }
0x64: {  	[tilespmem:s18], [sflag:$0x3] =	stream.indirect.gather [hbm4b:s4+s14], $0x40, s17, s14, $0xb8;
	[tilespmem:$0x13E20] =	vst v63  }
0x65: {  	_ =	swait.ge [sflag:s19], $0x1400  }
0x66: {  	[sflag:s19] =	ssyncset.done $0x0  }
0x67: {  	s17 =	sadd.s32 $0x2850, s0;
	[sflag:s19] =	ssyncadd.s32 $0xFFFFEC00  }
0x68: {  	[spmem:s2] =	stream.indirect.scatter.add.f32 [tilespmem:s15], [sflag:$0x1], $0x40, s17, s14, $0xb8;
	[tilespmem:$0x13E20] =	vst v63  }
0x69: {  	_ =	swait.ge [sflag:s25], $0x1400  }
0x6a: {  	[sflag:s25] =	ssyncset.done $0x0  }
.Ltmp0:
0x6b: {  	s17 =	sadd.s32 $0x230, s0;
	[sflag:s25] =	ssyncadd.s32 $0xFFFFEC00;
	(pc) =	sbr.rel @p0 .LBB2_2-.Ltmp0, $4  }
0x6c: {  	[tilespmem:s21], [sflag:$0x4] =	stream.indirect.gather [hbm4b:s4+s14], $0x40, s17, s14, $0xb8;
	[tilespmem:$0x13E20] =	vst v63  }
0x6d: {  	_ =	swait.ge [sflag:s22], $0x1400  }
0x6e: {  	[sflag:s22] =	ssyncset.done $0x0  }
0x6f: {  	s0 =	sadd.s32 $0x28A0, s0;
	[sflag:s22] =	ssyncadd.s32 $0xFFFFEC00  }
0x70: {  	[spmem:s2] =	stream.indirect.scatter.add.f32 [tilespmem:s16], [sflag:$0x2], $0x40, s0, s14, $0xb8;
	[tilespmem:$0x13E20] =	vst v63  }
0x71: {  	_ =	swait.ge [sflag:s19], $0x1400  }
0x72: {  	[sflag:s19] =	ssyncset.done $0x0  }
0x73: {  	[sflag:s19] =	ssyncadd.s32 $0xFFFFEC00  }
0x74: {  	[tilespmem:s15], [sflag:$0x1] =	stream.indirect.gather [hbm4b:s4+s14], $0x40, s26, s14, $0xb8;
	[tilespmem:$0x13E20] =	vst v63  }
0x75: {  	_ =	swait.ge [sflag:s24], $0x1400  }
0x76: {  	[sflag:s24] =	ssyncset.done $0x0  }
0x77: {  	[sflag:s24] =	ssyncadd.s32 $0xFFFFEC00  }
0x78: {  	[spmem:s2] =	stream.indirect.scatter.add.f32 [tilespmem:s18], [sflag:$0x3], $0x40, s28, s14, $0xb8;
	[tilespmem:$0x13E20] =	vst v63  }
0x79: {  	_ =	swait.ge [sflag:s22], $0x1400  }
0x7a: {  	[sflag:s22] =	ssyncset.done $0x0  }
0x7b: {  	[sflag:s22] =	ssyncadd.s32 $0xFFFFEC00  }
0x7c: {  	_ =	swait.ge [sflag:s25], $0x1400  }
0x7d: {  	[sflag:s25] =	ssyncset.done $0x0  }
0x7e: {  	[sflag:s25] =	ssyncadd.s32 $0xFFFFEC00  }
0x7f: {  	[spmem:s2] =	stream.indirect.scatter.add.f32 [tilespmem:s21], [sflag:$0x4], $0x40, s29, s14, $0xb8;
	[tilespmem:$0x13E20] =	vst v63  }
0x80: {  	_ =	swait.ge [sflag:s19], $0x1400  }
0x81: {  	[sflag:s19] =	ssyncset.done $0x0  }
0x82: {  	[sflag:s19] =	ssyncadd.s32 $0xFFFFEC00  }
0x83: {  	[spmem:s2] =	stream.indirect.scatter.add.f32 [tilespmem:s15], [sflag:$0x1], $0x40, s30, s14, $0xb8;
	[tilespmem:$0x13E20] =	vst v63  }
0x84: {  	_ =	swait.ge [sflag:s24], $0x1400  }
0x85: {  	[sflag:s24] =	ssyncset.done $0x0  }
0x86: {  	[sflag:s24] =	ssyncadd.s32 $0xFFFFEC00  }
0x87: {  	_ =	swait.ge [sflag:s25], $0x1400  }
0x88: {  	[sflag:s25] =	ssyncset.done $0x0  }
0x89: {  	[sflag:s25] =	ssyncadd.s32 $0xFFFFEC00  }
0x8a: {  	_ =	swait.ge [sflag:s19], $0x1400  }
0x8b: {  	s31 =	sadd.s32 $0x1, s31;
	[sflag:s19] =	ssyncset.done $0x0  }
0x8c: {  	p0 =	sne.s32 s31, s8;
	[sflag:s19] =	ssyncadd.s32 $0xFFFFEC00  }
.Ltmp1:
0x8d: {  	[bflag:$0x0] =	sbarrier.arrive $0xFFFF;
	(pc) =	sbr.rel @p0 .LBB2_1-.Ltmp1, $4  }
0x8e: {  	[hbm:s9], [sflag:s12] =	dma.local [spmem:s13], $0x1400  }
0x8f: {  	_ =	swait.ge [sflag:s10], $0x1400  }
0x90: {  	[sflag:s10] =	ssyncset.done $0x0  }
0x91: {  	[sflag:s10] =	ssyncadd.s32 $0xFFFFEC00  }
0x92: {  	_ =	sfence.sel $0x180000  }
0x93: {  	[bflag:$0x0] =	sbarrier.arrive $0xFFFF  }
0x94: {  	_ =	strace $0x9000004A  }
0x95: {  	s0 =	stileid.u32;
	[bflag:$0x2] =	sbarrier.arrive $0xFFFF  }
0x96: {  	p0 =	sne.s32 s0, $0x0;
	s0 =	rddreg [dreg:$0x3]  }
0x97: {  	s0 =	sadd.s32 @!p0 $0x100000, s0  }
0x98: {  	[sflag:s0] =	ssyncadd.tile.s32 @!p0 $0x1;
	_ =	shalt  }
.Lfunc_end2:
_tile_overlayer_lowered:
.L_overlay_start_2:
0x99: {  	(tag) =	ssettag $0x2  }
0x9a: {  	s0 =	rddreg [dreg:$0x0];
	s2 =	stileid.u32  }
0x9b: {  	s1 =	rddreg [dreg:$0x1];
	p0 =	sne.s32 s2, $0x0  }
0x9c: {  	s3 =	rddreg [dreg:$0x2];
	[bflag:$0x3] =	sbarrier.arrive $0xFFFF;
	s2 =	simm.s32 @!p0 $0x1C05  }
0x9d: {  	[timem:s3], [sflag:s2] =	dma.local @!p0 [hbm:s0], s1  }
0x9e: {  	s0 =	simm.s32 @!p0 $0x5  }
0x9f: {  	_ =	swait.ge @!p0 [sflag:s0], s1  }
0xa0: {  	s1 =	ssub.s32 @!p0 $0x0, s1;
	[sflag:s0] =	ssyncset.done @!p0 $0x0  }
0xa1: {  	[sflag:s0] =	ssyncadd.s32 @!p0 s1  }
0xa2: {  	[bflag:$0x3] =	sbarrier.arrive $0xFFFF  }
0xa3: {  	_ =	shalt  }

// kernel: kernel.14.cloned.1.call-start
scs
__scs_entry_jumppad:
0x0: {  	(pc) =	sbr.rel $0x88, $3  }
0x1: {  	(tag) =	ssettag $0x0;
	lr =	simm.s32 $0x1  }
0x2: {  	[smem:$0x3F9B] =	sst lr;
	_ =	strace $0xD0000000  }
0x3: {  	_ = 	snop  }
0x4: {  	_ = 	snop  }
0x5: {  	_ = 	snop  }
0x6: {  	_ = 	snop  }
0x7: {  	_ = 	snop  }
__scs_overlays_trampoline_lowered:
0x8: {  	[smem:$0x3FAA] =	sst s0  }
0x9: {  	[smem:$0x3FAB] =	sst s1  }
0xa: {  	[smem:$0x3FAC] =	sst s2  }
0xb: {  	[smem:$0x3FAD] =	sst s3  }
0xc: {  	[smem:$0x3FAE] =	sst s4  }
0xd: {  	[smem:$0x3FAF] =	sst s5  }
0xe: {  	[smem:$0x3FB0] =	sst s6  }
0xf: {  	[smem:$0x3FB1] =	sst s7  }
0x10: {  	[smem:$0x3FB2] =	sst s8  }
0x11: {  	[smem:$0x3FB3] =	sst s9;
	s0 =	simm.s32 @!p0 $0x0  }
0x12: {  	s1 =	sld [smem:$0x3F99];
	s0 =	simm.s32 @p0 $0x1  }
0x13: {  	[smem:$0x3FB4] =	sst s0;
	s0 =	simm.s32 @!p1 $0x0  }
0x14: {  	s2 =	sld [smem:$0x3F98];
	s0 =	simm.s32 @p1 $0x1  }
0x15: {  	[smem:$0x3FB5] =	sst s0;
	s0 =	simm.s32 @!p2 $0x0  }
0x16: {  	s3 =	sld [smem:$0x3FDB];
	s0 =	simm.s32 @p2 $0x1  }
0x17: {  	s4 =	simm.s32 $0x1BF5;
	[smem:$0x3FB7] =	sst s0  }
0x18: {  	s0 =	sld [smem:$0x3F9A];
	_ =	swait.ge [sflag:s4], $0x0  }
0x19: {  	s7 =	sld [smem:$0x3F9B]  }
0x1a: {  	s8 =	sadd.s32 $0xFFFFE003, lr  }
0x1b: {  	s9 =	sadd.s32 $0xFFFFFEF7, lr;
	s5 =	simm.s32 $0xFFFFFFFF;
	p2 =	slt.u32 s8, $0xFFFFF086  }
0x1c: {  	p1 =	slt.u32 s9, $0xF7A;
	s5 =	simm.s32 @!p2 $0x0  }
0x1d: {  	s5 =	simm.s32 @p1 $0x1;
	p0 =	seq.s32 s7, s2  }
0x1e: {  	s7 =	smul.u32 @!p0 $0xF7A, s2;
	p2 =	seq.s32 @!p0 s5, $0x0  }
0x1f: {  	s9 =	smul.u32 $0xF7A, s1;
	s8 =	simm.s32 @!p0 $0x1BF5;
	p2 =	por !p2, p0  }
0x20: {  	[sflag:s8] =	ssyncset.s32 @!p0 $0xFFFFF086;
	s6 =	sadd.s32 @!p0 s3, s7;
	s7 =	simm.s32 @!p0 $0x108  }
0x21: {  	s3 =	sadd.s32 s3, s9;
	s6 =	sadd.s32 @!p0 $0x88, s6;
	s7 =	simm.s32 @p2 $0x1082  }
0x22: {  	[simem:s7], [sflag:s8] =	dma.local @!p0 [hbm:s6], $0xF7A  }
0x23: {  	s9 =	sor.u32 $0xD0000000, s2;
	s6 =	simm.s32 $0x108;
	_ =	swait.ge @!p0 [sflag:s8], $0x0  }
0x24: {  	s3 =	sadd.s32 $0x88, s3;
	s6 =	simm.s32 @!p1 $0x1082;
	[sflag:s4] =	ssyncset.s32 $0xFFFFF086  }
0x25: {  	[simem:s6], [sflag:s4] =	dma.local [hbm:s3], $0xF7A  }
0x26: {  	[smem:$0x3F9B] =	sst s1;
	(tag) =	ssettag s2;
	_ =	strace s9  }
0x27: {  	s1 =	sld [smem:$0x3FAB]  }
0x28: {  	s2 =	sld [smem:$0x3FAC]  }
0x29: {  	s4 =	sld [smem:$0x3FAE]  }
0x2a: {  	p0 =	seq.s32 s5, $0x0;
	s5 =	sld [smem:$0x3FAF]  }
0x2b: {  	s6 =	sld [smem:$0x3FB0]  }
0x2c: {  	s7 =	sld [smem:$0x3FB1]  }
0x2d: {  	s3 =	simm.s32 $0x108;
	s8 =	sld [smem:$0x3FB2]  }
0x2e: {  	s3 =	simm.s32 @!p0 $0x1082;
	s9 =	sld [smem:$0x3FB3]  }
0x2f: {  	lr =	sadd.s32 s0, s3;
	s0 =	sld [smem:$0x3FAA]  }
0x30: {  	s3 =	sld [smem:$0x3FAD]  }
0x31: {  	[smem:$0x3FB6] =	sst s10  }
0x32: {  	s10 =	sld [smem:$0x3FB4];
	_ =	sdelay $0x3  }
0x33: {  	p0 =	seq.s32 s10, $0x1;
	s10 =	sld [smem:$0x3FB6];
	_ =	sdelay $0x3  }
0x34: {  	[smem:$0x3FB6] =	sst s10  }
0x35: {  	s10 =	sld [smem:$0x3FB5];
	_ =	sdelay $0x3  }
0x36: {  	p1 =	seq.s32 s10, $0x1;
	s10 =	sld [smem:$0x3FB6];
	_ =	sdelay $0x3  }
0x37: {  	[smem:$0x3FB6] =	sst s10  }
0x38: {  	s10 =	sld [smem:$0x3FB7]  }
0x39: {  	_ = 	snop;
	(pc) =	sbr.ind lr, $3  }
0x3a: {  	_ = 	snop  }
0x3b: {  	_ = 	snop  }
0x3c: {  	p2 =	seq.s32 s10, $0x1;
	s10 =	sld [smem:$0x3FB6]  }
0x3d: {  	_ =	shalt  }
0x3e: {  	_ =	shalt  }
0x3f: {  	_ =	shalt  }
0x40: {  	_ =	shalt  }
0x41: {  	_ =	shalt  }
0x42: {  	_ =	shalt  }
0x43: {  	_ =	shalt  }
0x44: {  	_ =	shalt  }
0x45: {  	_ =	shalt  }
0x46: {  	_ =	shalt  }
0x47: {  	_ =	shalt  }
0x48: {  	_ =	shalt  }
0x49: {  	_ =	shalt  }
0x4a: {  	_ =	shalt  }
0x4b: {  	_ =	shalt  }
0x4c: {  	_ =	shalt  }
0x4d: {  	_ =	shalt  }
0x4e: {  	_ =	shalt  }
0x4f: {  	_ =	shalt  }
0x50: {  	_ =	shalt  }
0x51: {  	_ =	shalt  }
0x52: {  	_ =	shalt  }
0x53: {  	_ =	shalt  }
0x54: {  	_ =	shalt  }
0x55: {  	_ =	shalt  }
0x56: {  	_ =	shalt  }
0x57: {  	_ =	shalt  }
0x58: {  	_ =	shalt  }
0x59: {  	_ =	shalt  }
0x5a: {  	_ =	shalt  }
0x5b: {  	_ =	shalt  }
0x5c: {  	_ =	shalt  }
0x5d: {  	_ =	shalt  }
0x5e: {  	_ =	shalt  }
0x5f: {  	_ =	shalt  }
0x60: {  	_ =	shalt  }
0x61: {  	_ =	shalt  }
0x62: {  	_ =	shalt  }
0x63: {  	_ =	shalt  }
0x64: {  	_ =	shalt  }
0x65: {  	_ =	shalt  }
0x66: {  	_ =	shalt  }
0x67: {  	_ =	shalt  }
0x68: {  	_ =	shalt  }
0x69: {  	_ =	shalt  }
0x6a: {  	_ =	shalt  }
0x6b: {  	_ =	shalt  }
0x6c: {  	_ =	shalt  }
0x6d: {  	_ =	shalt  }
0x6e: {  	_ =	shalt  }
0x6f: {  	_ =	shalt  }
0x70: {  	_ =	shalt  }
0x71: {  	_ =	shalt  }
0x72: {  	_ =	shalt  }
0x73: {  	_ =	shalt  }
0x74: {  	_ =	shalt  }
0x75: {  	_ =	shalt  }
0x76: {  	_ =	shalt  }
0x77: {  	_ =	shalt  }
0x78: {  	_ =	shalt  }
0x79: {  	_ =	shalt  }
0x7a: {  	_ =	shalt  }
0x7b: {  	_ =	shalt  }
0x7c: {  	_ =	shalt  }
0x7d: {  	_ =	shalt  }
0x7e: {  	_ =	shalt  }
0x7f: {  	_ =	shalt  }
0x80: {  	_ =	shalt  }
0x81: {  	_ =	shalt  }
0x82: {  	_ =	shalt  }
0x83: {  	_ =	shalt  }
0x84: {  	_ =	shalt  }
0x85: {  	_ =	shalt  }
0x86: {  	_ =	shalt  }
0x87: {  	_ =	shalt  }
.Lfunc_end0:
.L_simem_size_0:
called_computation.2_lowered:
.L_overlay_start_0:
0x88: {  	s2 =	sld [smem:$0x3FD9]  }
0x89: {  	s3 =	sld [smem:$0x3FFE];
	_ =	sdelay $0x1  }
0x8a: {  	s1 =	srdreg.scid  }
0x8b: {  	s0 =	sand.u32 $0x1, s1  }
0x8c: {  	s17 =	sshll.u32 s0, $0xA;
	s2 =	sadd.s32 s3, s2  }
0x8d: {  	s2 =	sadd.s32 s2, s17  }
0x8e: {  	[smem:$0x3FC2] =	sst s2  }
0x8f: {  	_ = 	snop  }
0x90: {  	s2 =	sld [smem:$0x3FD0];
	(tm) =	ssettm $0x1  }
0x91: {  	s18 =	sld [smem:$0x3FFB];
	_ =	sdelay $0x3  }
0x92: {  	_ =	strace s18  }
0x93: {  	s3 =	sld [smem:$0x3FFC];
	_ =	sdelay $0x3  }
0x94: {  	_ =	strace s3  }
0x95: {  	s3 =	sld [smem:$0x3FFD];
	_ =	sdelay $0x3  }
0x96: {  	_ =	strace s3  }
0x97: {  	_ =	strace $0x8FFFFFFF  }
0x98: {  	s19 =	sld [smem:$0x3FDB];
	_ =	sdelay $0x1  }
0x99: {  	s4 =	simm.s32 $_scs_section_size  }
0x9a: {  	s5 =	simm.s32 $_size__tile_overlayer_lowered;
	s6 =	simm.s32 $_tile_overlayer_lowered  }
0x9b: {  	s22 =	simm.s32 $0x1BFF;
	s21 =	sshll.u32 s6, $0x1;
	s3 =	sadd.s32 s4, s19  }
0x9c: {  	s7 =	simm.s32 $0x0;
	s20 =	sshll.u32 s5, $0x1;
	s5 =	sadd.s32 s21, s3  }
0x9d: {  	[timem:s7], [sflag:s22] =	dma.local [hbm:s5], s20  }
0x9e: {  	_ =	swait.ge [sflag:s22], s20  }
0x9f: {  	s4 =	ssub.s32 $0x0, s20;
	[sflag:s22] =	ssyncset.done $0x0  }
0xa0: {  	[sflag:s22] =	ssyncadd.s32 s4;
	_ =	sdelay $0x1  }
0xa1: {  	s23 =	simm.s32 $0x1B8B  }
0xa2: {  	_ =	swait.ge [sflag:s23], $0x1  }
0xa3: {  	[sflag:s23] =	ssyncset.done $0x0  }
0xa4: {  	s25 =	simm.s32 $0x1B8E;
	s24 =	sld [smem:$0x3FFE];
	[sflag:s23] =	ssyncadd.s32 $0xFFFFFFFF  }
0xa5: {  	s26 =	simm.s32 $execute0_lowered;
	[smem:$0x3FD2] =	sst s25  }
0xa6: {  	s5 =	sshll.u32 s26, $0x1;
	_ =	strace $0x8000004C;
	[dreg:$0x1] =	wrdreg $0xFFFFFFFF  }
0xa7: {  	s28 =	simm.s32 $_size_execute0_lowered;
	s3 =	sadd.s32 s3, s5;
	[dreg:$0x0] =	wrdreg $0x0  }
0xa8: {  	s5 =	sshll.u32 s28, $0x1;
	[dreg:$0x2] =	wrdreg s3  }
0xa9: {  	[dreg:$0x3] =	wrdreg s5  }
0xaa: {  	[dreg:$0x4] =	wrdreg $0xC0  }
0xab: {  	_ =	task [dreg:s7], $0x5FFFF  }
0xac: {  	[dreg:$0x1] =	wrdreg $0xFFFFFFFF  }
0xad: {  	[dreg:$0x0] =	wrdreg $0x60  }
0xae: {  	[dreg:$0x2] =	wrdreg s24  }
0xaf: {  	[dreg:$0x3] =	wrdreg s2  }
0xb0: {  	[dreg:$0x4] =	wrdreg $0x8A200  }
0xb1: {  	[dreg:$0x5] =	wrdreg $0x9  }
0xb2: {  	_ =	task.clear_ibuf [dreg:s7], $0x6FFFF;
	_ =	strace $0x9000004C  }
0xb3: {  	s29 =	simm.s32 $0x9;
	_ =	strace $0x8000004E  }
0xb4: {  	_ =	swait.ge [sflag:s29], $0x1  }
0xb5: {  	[sflag:s29] =	ssyncadd.s32 $0xFFFFFFFF  }
0xb6: {  	_ =	strace $0x9000004E  }
0xb7: {  	_ =	sfence  }
0xb8: {  	s30 =	sld [smem:$0x0];
	_ =	sdelay $0x2  }
0xb9: {  	s31 =	sshll.u32 s1, $0xD;
	s1 =	sshrl.u32 s1, $0x2  }
0xba: {  	s3 =	sand.u32 $0x4000, s31;
	s1 =	sadd.s32 s1, s30  }
0xbb: {  	s0 =	sor.u32 s3, s0;
	s1 =	sshll.u32 s1, $0x11  }
0xbc: {  	s0 =	sor.u32 s1, s0  }
0xbd: {  	s0 =	sadd.s32 $0x8F2B, s0  }
0xbe: {  	[sflag:s0] =	ssyncadd.remote.s32 $0x1  }
0xbf: {  	_ =	sfence.sel $0xFFFF  }
0xc0: {  	[dreg:$0x0] =	wrdreg $0xFFFFFFFF;
	(pc) =	sbr.abs _section_cstart, $3  }
0xc1: {  	[dreg:$0x1] =	wrdreg $0xFFFFFFFF  }
0xc2: {  	_ =	task.clear_ibuf [dreg:s7], $0x2FFFF;
	_ =	strace $0x9FFFFFFF  }
0xc3: {  	(tm) =	ssettm $0x7FFFFFFF  }
tec
execute0_lowered:
.L_overlay_start_1:
0x0: {  	(tag) =	ssettag $0x1  }
0x1: {  	s0 =	rddreg [dreg:$0x0]  }
0x2: {  	s1 =	rddreg [dreg:$0x1]  }
0x3: {  	s3 =	srdreg.scid;
	s11 =	stileid.u32  }
0x4: {  	s2 =	rddreg [dreg:$0x2];
	s14 =	simm.s32 $0x50;
	s15 =	simm.s32 $0x4E20  }
0x5: {  	s16 =	simm.s32 $0x5D20;
	s18 =	simm.s32 $0x6C20;
	s19 =	simm.s32 $0x1  }
0x6: {  	s20 =	simm.s32 $0xF0;
	s21 =	simm.s32 $0x7B20;
	s22 =	simm.s32 $0x2  }
0x7: {  	s23 =	simm.s32 $0x2760;
	s28 =	simm.s32 $0x4D30;
	s29 =	simm.s32 $0x4D80  }
0x8: {  	s30 =	simm.s32 $0x4DD0;
	s31 =	simm.s32 $0x0;
	s6 =	sand.u32 $0x1, s3  }
0x9: {  	s4 =	sshll.u32 s11, $0x1;
	s3 =	simm.s32 $0x0;
	s7 =	smul.u32 $0xF00, s11  }
0xa: {  	s24 =	smul.u32 $0x7800, s11;
	s26 =	sshll.u32 s11, $0x6;
	s11 =	simm.s32 $0x2710  }
0xb: {  	s4 =	sor.u32 s6, s4;
	[smem:$0x7FF] =	sst s3;
	s8 =	ssub.s32 $0x2, s6  }
0xc: {  	p0 =	seq.s32 s6, $0x1;
	s12 =	sor.u32 $0x1C05, s26;
	s26 =	simm.s32 $0x26C0  }
0xd: {  	s5 =	smul.u32 $0x4E2, s4;
	_ =	strace $0x8000004D;
	s4 =	sadd.s32 $0xD400, s0  }
0xe: {  	s10 =	sshrl.u32 s8, $0x1;
	s7 =	sadd.s32 s7, s0;
	s13 =	sadd.s32 s24, s2  }
0xf: {  	s25 =	sshrl.u32 s24, $0x3;
	s24 =	simm.s32 $0x3;
	s8 =	ssub.s32 s8, s10  }
0x10: {  	s9 =	sadd.s32 s5, s0;
	s5 =	sadd.s32 s1, s5;
	s1 =	simm.s32 $0x7D600  }
0x11: {  	s7 =	sadd.s32 $0x6E600, s7;
	s10 =	simm.s32 $0x5;
	s1 =	simm.s32 @!p0 $0x8C600  }
0x12: {  	s13 =	sshrl.u32 s13, $0x3;
	s8 =	smax.u32 s8, $0x1;
	s0 =	sadd.s32 s1, s0  }
0x13: {  	s6 =	sadd.s32 $0x3600, s9;
	s9 =	sadd.s32 s0, s25;
	s25 =	simm.s32 $0x4  }
.LBB2_1:
0x14: {  	[tilespmem:s3], [sflag:$0x5] =	stream.linear.gather [hbm4b:s5+s3], $0x2710, $0x38;
	[tilespmem:$0x10220] =	vst v63  }
0x15: {  	_ =	swait.ge [sflag:s10], $0x2710  }
0x16: {  	[sflag:s10] =	ssyncset.done $0x0  }
0x17: {  	[sflag:s10] =	ssyncadd.s32 $0xFFFFD8F0  }
0x18: {  	[tilespmem:s11], [sflag:$0x5] =	stream.linear.gather [hbm4b:s6+s3], $0x2710, $0x38;
	[tilespmem:$0x10220] =	vst v63  }
0x19: {  	_ =	swait.ge [sflag:s10], $0x2710  }
0x1a: {  	[sflag:s10] =	ssyncset.done $0x0  }
0x1b: {  	[sflag:s10] =	ssyncadd.s32 $0xFFFFD8F0  }
0x1c: {  	[spmem:s13], [sflag:s12] =	dma.local [hbm:s7], $0xF00  }
0x1d: {  	_ =	swait.ge [sflag:s10], $0xF00  }
0x1e: {  	[sflag:s10] =	ssyncset.done $0x0  }
0x1f: {  	[sflag:s10] =	ssyncadd.s32 $0xFFFFF100  }
0x20: {  	[bflag:$0x0] =	sbarrier.arrive $0xFFFF  }
0x21: {  	[tilespmem:s15], [sflag:$0x1] =	stream.indirect.gather [hbm4b:s4+s14], $0x30, s3, s14, $0xb8;
	[tilespmem:$0x10220] =	vst v63  }
0x22: {  	_ = 	snop  }
0x23: {  	[tilespmem:s16], [sflag:$0x2] =	stream.indirect.gather [hbm4b:s4+s14], $0x30, s14, s14, $0xb8;
	[tilespmem:$0x10220] =	vst v63  }
0x24: {  	s0 =	simm.s32 $0xA0  }
0x25: {  	[tilespmem:s18], [sflag:$0x3] =	stream.indirect.gather [hbm4b:s4+s14], $0x30, s0, s14, $0xb8;
	[tilespmem:$0x10220] =	vst v63  }
0x26: {  	_ =	swait.ge [sflag:s19], $0xF00  }
0x27: {  	[sflag:s19] =	ssyncset.done $0x0  }
0x28: {  	[sflag:s19] =	ssyncadd.s32 $0xFFFFF100  }
0x29: {  	[spmem:s2] =	stream.indirect.scatter.add.f32 [tilespmem:s15], [sflag:$0x1], $0x30, s11, s14, $0xb8;
	[tilespmem:$0x10220] =	vst v63  }
0x2a: {  	_ = 	snop  }
0x2b: {  	[tilespmem:s21], [sflag:$0x4] =	stream.indirect.gather [hbm4b:s4+s14], $0x30, s20, s14, $0xb8;
	[tilespmem:$0x10220] =	vst v63  }
0x2c: {  	_ =	swait.ge [sflag:s22], $0xF00  }
0x2d: {  	[sflag:s22] =	ssyncset.done $0x0  }
0x2e: {  	[sflag:s22] =	ssyncadd.s32 $0xFFFFF100  }
0x2f: {  	[spmem:s2] =	stream.indirect.scatter.add.f32 [tilespmem:s16], [sflag:$0x2], $0x30, s23, s14, $0xb8;
	[tilespmem:$0x10220] =	vst v63  }
0x30: {  	_ =	swait.ge [sflag:s19], $0xF00  }
0x31: {  	[sflag:s19] =	ssyncset.done $0x0  }
0x32: {  	s17 =	simm.s32 $0x140;
	[sflag:s19] =	ssyncadd.s32 $0xFFFFF100  }
0x33: {  	[tilespmem:s15], [sflag:$0x1] =	stream.indirect.gather [hbm4b:s4+s14], $0x30, s17, s14, $0xb8;
	[tilespmem:$0x10220] =	vst v63  }
0x34: {  	_ =	swait.ge [sflag:s24], $0xF00  }
0x35: {  	[sflag:s24] =	ssyncset.done $0x0  }
0x36: {  	s1 =	simm.s32 $0x27B0;
	[sflag:s24] =	ssyncadd.s32 $0xFFFFF100  }
0x37: {  	[spmem:s2] =	stream.indirect.scatter.add.f32 [tilespmem:s18], [sflag:$0x3], $0x30, s1, s14, $0xb8;
	[tilespmem:$0x10220] =	vst v63  }
0x38: {  	_ =	swait.ge [sflag:s22], $0xF00  }
0x39: {  	[sflag:s22] =	ssyncset.done $0x0  }
0x3a: {  	s17 =	simm.s32 $0x190;
	[sflag:s22] =	ssyncadd.s32 $0xFFFFF100  }
0x3b: {  	[tilespmem:s16], [sflag:$0x2] =	stream.indirect.gather [hbm4b:s4+s14], $0x30, s17, s14, $0xb8;
	[tilespmem:$0x10220] =	vst v63  }
0x3c: {  	_ =	swait.ge [sflag:s25], $0xF00  }
0x3d: {  	[sflag:s25] =	ssyncset.done $0x0  }
0x3e: {  	s1 =	simm.s32 $0x2800;
	[sflag:s25] =	ssyncadd.s32 $0xFFFFF100  }
0x3f: {  	[spmem:s2] =	stream.indirect.scatter.add.f32 [tilespmem:s21], [sflag:$0x4], $0x30, s1, s14, $0xb8;
	[tilespmem:$0x10220] =	vst v63  }
0x40: {  	_ =	swait.ge [sflag:s24], $0xF00  }
0x41: {  	[sflag:s24] =	ssyncset.done $0x0  }
0x42: {  	s17 =	simm.s32 $0x1E0;
	[sflag:s24] =	ssyncadd.s32 $0xFFFFF100  }
0x43: {  	[tilespmem:s18], [sflag:$0x3] =	stream.indirect.gather [hbm4b:s4+s14], $0x30, s17, s14, $0xb8;
	[tilespmem:$0x10220] =	vst v63  }
0x44: {  	_ =	swait.ge [sflag:s19], $0xF00  }
0x45: {  	[sflag:s19] =	ssyncset.done $0x0  }
0x46: {  	s1 =	simm.s32 $0x2850;
	[sflag:s19] =	ssyncadd.s32 $0xFFFFF100  }
0x47: {  	[spmem:s2] =	stream.indirect.scatter.add.f32 [tilespmem:s15], [sflag:$0x1], $0x30, s1, s14, $0xb8;
	[tilespmem:$0x10220] =	vst v63  }
0x48: {  	_ =	swait.ge [sflag:s25], $0xF00  }
0x49: {  	[sflag:s25] =	ssyncset.done $0x0  }
0x4a: {  	s17 =	simm.s32 $0x230;
	[sflag:s25] =	ssyncadd.s32 $0xFFFFF100  }
0x4b: {  	[tilespmem:s21], [sflag:$0x4] =	stream.indirect.gather [hbm4b:s4+s14], $0x30, s17, s14, $0xb8;
	[tilespmem:$0x10220] =	vst v63  }
0x4c: {  	_ =	swait.ge [sflag:s22], $0xF00  }
0x4d: {  	[sflag:s22] =	ssyncset.done $0x0  }
0x4e: {  	s0 =	simm.s32 $0x28A0;
	s1 =	simm.s32 $0x500;
	[sflag:s22] =	ssyncadd.s32 $0xFFFFF100  }
.LBB2_2:
0x4f: {  	[spmem:s2] =	stream.indirect.scatter.add.f32 [tilespmem:s16], [sflag:$0x2], $0x30, s0, s14, $0xb8;
	[tilespmem:$0x10220] =	vst v63  }
0x50: {  	s0 =	smov.u32 s1  }
0x51: {  	p0 =	sne.s32 s1, $0x9100;
	s1 =	sadd.s32 $0x500, s1;
	_ =	swait.ge [sflag:s19], $0xF00  }
0x52: {  	s0 =	sshra.s32 s0, $0x2;
	[sflag:s19] =	ssyncset.done $0x0  }
0x53: {  	s17 =	sadd.s32 $0x140, s0;
	[sflag:s19] =	ssyncadd.s32 $0xFFFFF100  }
0x54: {  	[tilespmem:s15], [sflag:$0x1] =	stream.indirect.gather [hbm4b:s4+s14], $0x30, s17, s14, $0xb8;
	[tilespmem:$0x10220] =	vst v63  }
0x55: {  	_ =	swait.ge [sflag:s24], $0xF00  }
0x56: {  	[sflag:s24] =	ssyncset.done $0x0  }
0x57: {  	s17 =	sadd.s32 $0x27B0, s0;
	[sflag:s24] =	ssyncadd.s32 $0xFFFFF100  }
0x58: {  	[spmem:s2] =	stream.indirect.scatter.add.f32 [tilespmem:s18], [sflag:$0x3], $0x30, s17, s14, $0xb8;
	[tilespmem:$0x10220] =	vst v63  }
0x59: {  	_ =	swait.ge [sflag:s22], $0xF00  }
0x5a: {  	[sflag:s22] =	ssyncset.done $0x0  }
0x5b: {  	s17 =	sadd.s32 $0x190, s0;
	[sflag:s22] =	ssyncadd.s32 $0xFFFFF100  }
0x5c: {  	[tilespmem:s16], [sflag:$0x2] =	stream.indirect.gather [hbm4b:s4+s14], $0x30, s17, s14, $0xb8;
	[tilespmem:$0x10220] =	vst v63  }
0x5d: {  	_ =	swait.ge [sflag:s25], $0xF00  }
0x5e: {  	[sflag:s25] =	ssyncset.done $0x0  }
0x5f: {  	s17 =	sadd.s32 $0x2800, s0;
	[sflag:s25] =	ssyncadd.s32 $0xFFFFF100  }
0x60: {  	[spmem:s2] =	stream.indirect.scatter.add.f32 [tilespmem:s21], [sflag:$0x4], $0x30, s17, s14, $0xb8;
	[tilespmem:$0x10220] =	vst v63  }
0x61: {  	_ =	swait.ge [sflag:s24], $0xF00  }
0x62: {  	[sflag:s24] =	ssyncset.done $0x0  }
0x63: {  	s17 =	sadd.s32 $0x1E0, s0;
	[sflag:s24] =	ssyncadd.s32 $0xFFFFF100  }
0x64: {  	[tilespmem:s18], [sflag:$0x3] =	stream.indirect.gather [hbm4b:s4+s14], $0x30, s17, s14, $0xb8;
	[tilespmem:$0x10220] =	vst v63  }
0x65: {  	_ =	swait.ge [sflag:s19], $0xF00  }
0x66: {  	[sflag:s19] =	ssyncset.done $0x0  }
0x67: {  	s17 =	sadd.s32 $0x2850, s0;
	[sflag:s19] =	ssyncadd.s32 $0xFFFFF100  }
0x68: {  	[spmem:s2] =	stream.indirect.scatter.add.f32 [tilespmem:s15], [sflag:$0x1], $0x30, s17, s14, $0xb8;
	[tilespmem:$0x10220] =	vst v63  }
0x69: {  	_ =	swait.ge [sflag:s25], $0xF00  }
0x6a: {  	[sflag:s25] =	ssyncset.done $0x0  }
.Ltmp0:
0x6b: {  	s17 =	sadd.s32 $0x230, s0;
	[sflag:s25] =	ssyncadd.s32 $0xFFFFF100;
	(pc) =	sbr.rel @p0 .LBB2_2-.Ltmp0, $4  }
0x6c: {  	[tilespmem:s21], [sflag:$0x4] =	stream.indirect.gather [hbm4b:s4+s14], $0x30, s17, s14, $0xb8;
	[tilespmem:$0x10220] =	vst v63  }
0x6d: {  	_ =	swait.ge [sflag:s22], $0xF00  }
0x6e: {  	[sflag:s22] =	ssyncset.done $0x0  }
0x6f: {  	s0 =	sadd.s32 $0x28A0, s0;
	[sflag:s22] =	ssyncadd.s32 $0xFFFFF100  }
0x70: {  	[spmem:s2] =	stream.indirect.scatter.add.f32 [tilespmem:s16], [sflag:$0x2], $0x30, s0, s14, $0xb8;
	[tilespmem:$0x10220] =	vst v63  }
0x71: {  	_ =	swait.ge [sflag:s19], $0xF00  }
0x72: {  	[sflag:s19] =	ssyncset.done $0x0  }
0x73: {  	[sflag:s19] =	ssyncadd.s32 $0xFFFFF100  }
0x74: {  	[tilespmem:s15], [sflag:$0x1] =	stream.indirect.gather [hbm4b:s4+s14], $0x30, s26, s14, $0xb8;
	[tilespmem:$0x10220] =	vst v63  }
0x75: {  	_ =	swait.ge [sflag:s24], $0xF00  }
0x76: {  	[sflag:s24] =	ssyncset.done $0x0  }
0x77: {  	[sflag:s24] =	ssyncadd.s32 $0xFFFFF100  }
0x78: {  	[spmem:s2] =	stream.indirect.scatter.add.f32 [tilespmem:s18], [sflag:$0x3], $0x30, s28, s14, $0xb8;
	[tilespmem:$0x10220] =	vst v63  }
0x79: {  	_ =	swait.ge [sflag:s22], $0xF00  }
0x7a: {  	[sflag:s22] =	ssyncset.done $0x0  }
0x7b: {  	[sflag:s22] =	ssyncadd.s32 $0xFFFFF100  }
0x7c: {  	_ =	swait.ge [sflag:s25], $0xF00  }
0x7d: {  	[sflag:s25] =	ssyncset.done $0x0  }
0x7e: {  	[sflag:s25] =	ssyncadd.s32 $0xFFFFF100  }
0x7f: {  	[spmem:s2] =	stream.indirect.scatter.add.f32 [tilespmem:s21], [sflag:$0x4], $0x30, s29, s14, $0xb8;
	[tilespmem:$0x10220] =	vst v63  }
0x80: {  	_ =	swait.ge [sflag:s19], $0xF00  }
0x81: {  	[sflag:s19] =	ssyncset.done $0x0  }
0x82: {  	[sflag:s19] =	ssyncadd.s32 $0xFFFFF100  }
0x83: {  	[spmem:s2] =	stream.indirect.scatter.add.f32 [tilespmem:s15], [sflag:$0x1], $0x30, s30, s14, $0xb8;
	[tilespmem:$0x10220] =	vst v63  }
0x84: {  	_ =	swait.ge [sflag:s24], $0xF00  }
0x85: {  	[sflag:s24] =	ssyncset.done $0x0  }
0x86: {  	[sflag:s24] =	ssyncadd.s32 $0xFFFFF100  }
0x87: {  	_ =	swait.ge [sflag:s25], $0xF00  }
0x88: {  	[sflag:s25] =	ssyncset.done $0x0  }
0x89: {  	[sflag:s25] =	ssyncadd.s32 $0xFFFFF100  }
0x8a: {  	_ =	swait.ge [sflag:s19], $0xF00  }
0x8b: {  	s31 =	sadd.s32 $0x1, s31;
	[sflag:s19] =	ssyncset.done $0x0  }
0x8c: {  	p0 =	sne.s32 s31, s8;
	[sflag:s19] =	ssyncadd.s32 $0xFFFFF100  }
.Ltmp1:
0x8d: {  	[bflag:$0x0] =	sbarrier.arrive $0xFFFF;
	(pc) =	sbr.rel @p0 .LBB2_1-.Ltmp1, $4  }
0x8e: {  	[hbm:s9], [sflag:s12] =	dma.local [spmem:s13], $0xF00  }
0x8f: {  	_ =	swait.ge [sflag:s10], $0xF00  }
0x90: {  	[sflag:s10] =	ssyncset.done $0x0  }
0x91: {  	[sflag:s10] =	ssyncadd.s32 $0xFFFFF100  }
0x92: {  	_ =	sfence.sel $0x180000  }
0x93: {  	[bflag:$0x0] =	sbarrier.arrive $0xFFFF  }
0x94: {  	_ =	strace $0x9000004D  }
0x95: {  	s0 =	stileid.u32;
	[bflag:$0x2] =	sbarrier.arrive $0xFFFF  }
0x96: {  	p0 =	sne.s32 s0, $0x0;
	s0 =	rddreg [dreg:$0x3]  }
0x97: {  	s0 =	sadd.s32 @!p0 $0x100000, s0  }
0x98: {  	[sflag:s0] =	ssyncadd.tile.s32 @!p0 $0x1;
	_ =	shalt  }
.Lfunc_end2:
_tile_overlayer_lowered:
.L_overlay_start_2:
0x99: {  	(tag) =	ssettag $0x2  }
0x9a: {  	s0 =	rddreg [dreg:$0x0];
	s2 =	stileid.u32  }
0x9b: {  	s1 =	rddreg [dreg:$0x1];
	p0 =	sne.s32 s2, $0x0  }
0x9c: {  	s3 =	rddreg [dreg:$0x2];
	[bflag:$0x3] =	sbarrier.arrive $0xFFFF;
	s2 =	simm.s32 @!p0 $0x1C05  }
0x9d: {  	[timem:s3], [sflag:s2] =	dma.local @!p0 [hbm:s0], s1  }
0x9e: {  	s0 =	simm.s32 @!p0 $0x5  }
0x9f: {  	_ =	swait.ge @!p0 [sflag:s0], s1  }
0xa0: {  	s1 =	ssub.s32 @!p0 $0x0, s1;
	[sflag:s0] =	ssyncset.done @!p0 $0x0  }
0xa1: {  	[sflag:s0] =	ssyncadd.s32 @!p0 s1  }
0xa2: {  	[bflag:$0x3] =	sbarrier.arrive $0xFFFF  }
0xa3: {  	_ =	shalt  }

// kernel: kernel.8.cloned.1.call-start
scs
__scs_entry_jumppad:
0x0: {  	(pc) =	sbr.rel $0x88, $3  }
0x1: {  	(tag) =	ssettag $0x0;
	lr =	simm.s32 $0x1  }
0x2: {  	[smem:$0x3F9B] =	sst lr;
	_ =	strace $0xD0000000  }
0x3: {  	_ = 	snop  }
0x4: {  	_ = 	snop  }
0x5: {  	_ = 	snop  }
0x6: {  	_ = 	snop  }
0x7: {  	_ = 	snop  }
__scs_overlays_trampoline_lowered:
0x8: {  	[smem:$0x3FAA] =	sst s0  }
0x9: {  	[smem:$0x3FAB] =	sst s1  }
0xa: {  	[smem:$0x3FAC] =	sst s2  }
0xb: {  	[smem:$0x3FAD] =	sst s3  }
0xc: {  	[smem:$0x3FAE] =	sst s4  }
0xd: {  	[smem:$0x3FAF] =	sst s5  }
0xe: {  	[smem:$0x3FB0] =	sst s6  }
0xf: {  	[smem:$0x3FB1] =	sst s7  }
0x10: {  	[smem:$0x3FB2] =	sst s8  }
0x11: {  	[smem:$0x3FB3] =	sst s9;
	s0 =	simm.s32 @!p0 $0x0  }
0x12: {  	s1 =	sld [smem:$0x3F99];
	s0 =	simm.s32 @p0 $0x1  }
0x13: {  	[smem:$0x3FB4] =	sst s0;
	s0 =	simm.s32 @!p1 $0x0  }
0x14: {  	s2 =	sld [smem:$0x3F98];
	s0 =	simm.s32 @p1 $0x1  }
0x15: {  	[smem:$0x3FB5] =	sst s0;
	s0 =	simm.s32 @!p2 $0x0  }
0x16: {  	s3 =	sld [smem:$0x3FDB];
	s0 =	simm.s32 @p2 $0x1  }
0x17: {  	s4 =	simm.s32 $0x1BF5;
	[smem:$0x3FB7] =	sst s0  }
0x18: {  	s0 =	sld [smem:$0x3F9A];
	_ =	swait.ge [sflag:s4], $0x0  }
0x19: {  	s7 =	sld [smem:$0x3F9B]  }
0x1a: {  	s8 =	sadd.s32 $0xFFFFE003, lr  }
0x1b: {  	s9 =	sadd.s32 $0xFFFFFEF7, lr;
	s5 =	simm.s32 $0xFFFFFFFF;
	p2 =	slt.u32 s8, $0xFFFFF086  }
0x1c: {  	p1 =	slt.u32 s9, $0xF7A;
	s5 =	simm.s32 @!p2 $0x0  }
0x1d: {  	s5 =	simm.s32 @p1 $0x1;
	p0 =	seq.s32 s7, s2  }
0x1e: {  	s7 =	smul.u32 @!p0 $0xF7A, s2;
	p2 =	seq.s32 @!p0 s5, $0x0  }
0x1f: {  	s9 =	smul.u32 $0xF7A, s1;
	s8 =	simm.s32 @!p0 $0x1BF5;
	p2 =	por !p2, p0  }
0x20: {  	[sflag:s8] =	ssyncset.s32 @!p0 $0xFFFFF086;
	s6 =	sadd.s32 @!p0 s3, s7;
	s7 =	simm.s32 @!p0 $0x108  }
0x21: {  	s3 =	sadd.s32 s3, s9;
	s6 =	sadd.s32 @!p0 $0x88, s6;
	s7 =	simm.s32 @p2 $0x1082  }
0x22: {  	[simem:s7], [sflag:s8] =	dma.local @!p0 [hbm:s6], $0xF7A  }
0x23: {  	s9 =	sor.u32 $0xD0000000, s2;
	s6 =	simm.s32 $0x108;
	_ =	swait.ge @!p0 [sflag:s8], $0x0  }
0x24: {  	s3 =	sadd.s32 $0x88, s3;
	s6 =	simm.s32 @!p1 $0x1082;
	[sflag:s4] =	ssyncset.s32 $0xFFFFF086  }
0x25: {  	[simem:s6], [sflag:s4] =	dma.local [hbm:s3], $0xF7A  }
0x26: {  	[smem:$0x3F9B] =	sst s1;
	(tag) =	ssettag s2;
	_ =	strace s9  }
0x27: {  	s1 =	sld [smem:$0x3FAB]  }
0x28: {  	s2 =	sld [smem:$0x3FAC]  }
0x29: {  	s4 =	sld [smem:$0x3FAE]  }
0x2a: {  	p0 =	seq.s32 s5, $0x0;
	s5 =	sld [smem:$0x3FAF]  }
0x2b: {  	s6 =	sld [smem:$0x3FB0]  }
0x2c: {  	s7 =	sld [smem:$0x3FB1]  }
0x2d: {  	s3 =	simm.s32 $0x108;
	s8 =	sld [smem:$0x3FB2]  }
0x2e: {  	s3 =	simm.s32 @!p0 $0x1082;
	s9 =	sld [smem:$0x3FB3]  }
0x2f: {  	lr =	sadd.s32 s0, s3;
	s0 =	sld [smem:$0x3FAA]  }
0x30: {  	s3 =	sld [smem:$0x3FAD]  }
0x31: {  	[smem:$0x3FB6] =	sst s10  }
0x32: {  	s10 =	sld [smem:$0x3FB4];
	_ =	sdelay $0x3  }
0x33: {  	p0 =	seq.s32 s10, $0x1;
	s10 =	sld [smem:$0x3FB6];
	_ =	sdelay $0x3  }
0x34: {  	[smem:$0x3FB6] =	sst s10  }
0x35: {  	s10 =	sld [smem:$0x3FB5];
	_ =	sdelay $0x3  }
0x36: {  	p1 =	seq.s32 s10, $0x1;
	s10 =	sld [smem:$0x3FB6];
	_ =	sdelay $0x3  }
0x37: {  	[smem:$0x3FB6] =	sst s10  }
0x38: {  	s10 =	sld [smem:$0x3FB7]  }
0x39: {  	_ = 	snop;
	(pc) =	sbr.ind lr, $3  }
0x3a: {  	_ = 	snop  }
0x3b: {  	_ = 	snop  }
0x3c: {  	p2 =	seq.s32 s10, $0x1;
	s10 =	sld [smem:$0x3FB6]  }
0x3d: {  	_ =	shalt  }
0x3e: {  	_ =	shalt  }
0x3f: {  	_ =	shalt  }
0x40: {  	_ =	shalt  }
0x41: {  	_ =	shalt  }
0x42: {  	_ =	shalt  }
0x43: {  	_ =	shalt  }
0x44: {  	_ =	shalt  }
0x45: {  	_ =	shalt  }
0x46: {  	_ =	shalt  }
0x47: {  	_ =	shalt  }
0x48: {  	_ =	shalt  }
0x49: {  	_ =	shalt  }
0x4a: {  	_ =	shalt  }
0x4b: {  	_ =	shalt  }
0x4c: {  	_ =	shalt  }
0x4d: {  	_ =	shalt  }
0x4e: {  	_ =	shalt  }
0x4f: {  	_ =	shalt  }
0x50: {  	_ =	shalt  }
0x51: {  	_ =	shalt  }
0x52: {  	_ =	shalt  }
0x53: {  	_ =	shalt  }
0x54: {  	_ =	shalt  }
0x55: {  	_ =	shalt  }
0x56: {  	_ =	shalt  }
0x57: {  	_ =	shalt  }
0x58: {  	_ =	shalt  }
0x59: {  	_ =	shalt  }
0x5a: {  	_ =	shalt  }
0x5b: {  	_ =	shalt  }
0x5c: {  	_ =	shalt  }
0x5d: {  	_ =	shalt  }
0x5e: {  	_ =	shalt  }
0x5f: {  	_ =	shalt  }
0x60: {  	_ =	shalt  }
0x61: {  	_ =	shalt  }
0x62: {  	_ =	shalt  }
0x63: {  	_ =	shalt  }
0x64: {  	_ =	shalt  }
0x65: {  	_ =	shalt  }
0x66: {  	_ =	shalt  }
0x67: {  	_ =	shalt  }
0x68: {  	_ =	shalt  }
0x69: {  	_ =	shalt  }
0x6a: {  	_ =	shalt  }
0x6b: {  	_ =	shalt  }
0x6c: {  	_ =	shalt  }
0x6d: {  	_ =	shalt  }
0x6e: {  	_ =	shalt  }
0x6f: {  	_ =	shalt  }
0x70: {  	_ =	shalt  }
0x71: {  	_ =	shalt  }
0x72: {  	_ =	shalt  }
0x73: {  	_ =	shalt  }
0x74: {  	_ =	shalt  }
0x75: {  	_ =	shalt  }
0x76: {  	_ =	shalt  }
0x77: {  	_ =	shalt  }
0x78: {  	_ =	shalt  }
0x79: {  	_ =	shalt  }
0x7a: {  	_ =	shalt  }
0x7b: {  	_ =	shalt  }
0x7c: {  	_ =	shalt  }
0x7d: {  	_ =	shalt  }
0x7e: {  	_ =	shalt  }
0x7f: {  	_ =	shalt  }
0x80: {  	_ =	shalt  }
0x81: {  	_ =	shalt  }
0x82: {  	_ =	shalt  }
0x83: {  	_ =	shalt  }
0x84: {  	_ =	shalt  }
0x85: {  	_ =	shalt  }
0x86: {  	_ =	shalt  }
0x87: {  	_ =	shalt  }
.Lfunc_end0:
.L_simem_size_0:
called_computation_lowered:
.L_overlay_start_0:
0x88: {  	s2 =	sld [smem:$0x3FD9]  }
0x89: {  	s3 =	sld [smem:$0x3FFE];
	_ =	sdelay $0x1  }
0x8a: {  	s1 =	srdreg.scid  }
0x8b: {  	s0 =	sand.u32 $0x1, s1  }
0x8c: {  	s16 =	sshll.u32 s0, $0xA;
	s2 =	sadd.s32 s3, s2  }
0x8d: {  	s2 =	sadd.s32 s2, s16  }
0x8e: {  	[smem:$0x3FC2] =	sst s2  }
0x8f: {  	_ = 	snop  }
0x90: {  	(tm) =	ssettm $0x1  }
0x91: {  	s17 =	sld [smem:$0x3FFB];
	_ =	sdelay $0x3  }
0x92: {  	_ =	strace s17  }
0x93: {  	s2 =	sld [smem:$0x3FFC];
	_ =	sdelay $0x3  }
0x94: {  	_ =	strace s2  }
0x95: {  	s2 =	sld [smem:$0x3FFD];
	_ =	sdelay $0x3  }
0x96: {  	_ =	strace s2  }
0x97: {  	_ =	strace $0x8FFFFFFF  }
0x98: {  	s18 =	sld [smem:$0x3FDB];
	_ =	sdelay $0x1  }
0x99: {  	s19 =	simm.s32 $_scs_section_size  }
0x9a: {  	s4 =	simm.s32 $_size__tile_overlayer_lowered;
	s5 =	simm.s32 $_tile_overlayer_lowered  }
0x9b: {  	s22 =	simm.s32 $0x1BFF;
	s21 =	sshll.u32 s5, $0x1;
	s2 =	sadd.s32 s19, s18  }
0x9c: {  	s6 =	simm.s32 $0x0;
	s20 =	sshll.u32 s4, $0x1;
	s4 =	sadd.s32 s21, s2  }
0x9d: {  	[timem:s6], [sflag:s22] =	dma.local [hbm:s4], s20  }
0x9e: {  	_ =	swait.ge [sflag:s22], s20  }
0x9f: {  	s3 =	ssub.s32 $0x0, s20;
	[sflag:s22] =	ssyncset.done $0x0  }
0xa0: {  	[sflag:s22] =	ssyncadd.s32 s3;
	_ =	sdelay $0x1  }
0xa1: {  	s23 =	simm.s32 $0x1B8B  }
0xa2: {  	_ =	swait.ge [sflag:s23], $0x1  }
0xa3: {  	[sflag:s23] =	ssyncset.done $0x0  }
0xa4: {  	s25 =	simm.s32 $0x1B8E;
	s24 =	sld [smem:$0x3FFE];
	[sflag:s23] =	ssyncadd.s32 $0xFFFFFFFF  }
0xa5: {  	s26 =	simm.s32 $execute0_lowered;
	[smem:$0x3FD2] =	sst s25  }
0xa6: {  	s4 =	sshll.u32 s26, $0x1;
	_ =	strace $0x80000046;
	[dreg:$0x1] =	wrdreg $0xFFFFFFFF  }
0xa7: {  	s28 =	simm.s32 $_size_execute0_lowered;
	s2 =	sadd.s32 s2, s4;
	[dreg:$0x0] =	wrdreg $0x0  }
0xa8: {  	s4 =	sshll.u32 s28, $0x1;
	[dreg:$0x2] =	wrdreg s2  }
0xa9: {  	[dreg:$0x3] =	wrdreg s4  }
0xaa: {  	[dreg:$0x4] =	wrdreg $0xC0  }
0xab: {  	_ =	task [dreg:s6], $0x5FFFF  }
0xac: {  	[dreg:$0x1] =	wrdreg $0xFFFFFFFF  }
0xad: {  	[dreg:$0x0] =	wrdreg $0x60  }
0xae: {  	[dreg:$0x2] =	wrdreg s24  }
0xaf: {  	[dreg:$0x3] =	wrdreg $0x40800  }
0xb0: {  	[dreg:$0x4] =	wrdreg $0x9  }
0xb1: {  	_ =	task.clear_ibuf [dreg:s6], $0x5FFFF;
	_ =	strace $0x90000046  }
0xb2: {  	s29 =	simm.s32 $0x9;
	_ =	strace $0x80000048  }
0xb3: {  	_ =	swait.ge [sflag:s29], $0x1  }
0xb4: {  	[sflag:s29] =	ssyncadd.s32 $0xFFFFFFFF  }
0xb5: {  	_ =	strace $0x90000048  }
0xb6: {  	_ =	sfence  }
0xb7: {  	s30 =	sld [smem:$0x0];
	_ =	sdelay $0x2  }
0xb8: {  	s31 =	sshll.u32 s1, $0xD;
	s1 =	sshrl.u32 s1, $0x2  }
0xb9: {  	s3 =	sand.u32 $0x4000, s31;
	s1 =	sadd.s32 s1, s30  }
0xba: {  	s0 =	sor.u32 s3, s0;
	s1 =	sshll.u32 s1, $0x11  }
0xbb: {  	s0 =	sor.u32 s1, s0  }
0xbc: {  	s0 =	sadd.s32 $0x8F2B, s0  }
0xbd: {  	[sflag:s0] =	ssyncadd.remote.s32 $0x1  }
0xbe: {  	_ =	sfence.sel $0xFFFF  }
0xbf: {  	[dreg:$0x0] =	wrdreg $0xFFFFFFFF;
	(pc) =	sbr.abs _section_cstart, $3  }
0xc0: {  	[dreg:$0x1] =	wrdreg $0xFFFFFFFF  }
0xc1: {  	_ =	task.clear_ibuf [dreg:s6], $0x2FFFF;
	_ =	strace $0x9FFFFFFF  }
0xc2: {  	(tm) =	ssettm $0x7FFFFFFF  }
0xc3: {  	_ =	shalt  }
tec
execute0_lowered:
.L_overlay_start_1:
0x0: {  	(tag) =	ssettag $0x1  }
0x1: {  	s6 =	rddreg [dreg:$0x0]  }
0x2: {  	s2 =	rddreg [dreg:$0x1]  }
0x3: {  	s1 =	stileid.u32;
	s0 =	rddreg [dreg:$0x2];
	s3 =	simm.s32 $0x0  }
0x4: {  	s7 =	srdreg.scid;
	s12 =	simm.s32 $0x10;
	s13 =	simm.s32 $0x80  }
0x5: {  	s14 =	simm.s32 $0x50;
	s15 =	simm.s32 $0x4000;
	s16 =	simm.s32 $0x0  }
0x6: {  	s4 =	sshrl.u32 s1, $0x3;
	s5 =	sshll.u32 s1, $0x7;
	[smem:$0x7FF] =	sst s3  }
0x7: {  	s7 =	sand.u32 $0x1, s7;
	s29 =	sshll.u32 s1, $0xC;
	s10 =	smul.u32 $0x280, s1  }
0x8: {  	s31 =	sshll.u32 s1, $0x6;
	s4 =	smul.u32 $0x1400, s4;
	s5 =	sand.u32 $0x380, s5  }
0x9: {  	_ =	strace $0x80000047;
	s26 =	sshll.u32 s7, $0xB;
	s8 =	ssub.s32 $0x2, s7  }
0xa: {  	p0 =	seq.s32 s7, $0x1;
	s7 =	simm.s32 $0x1E000;
	s28 =	sshrl.u32 s8, $0x1  }
0xb: {  	s11 =	sadd.s32 s10, s2;
	s7 =	simm.s32 @!p0 $0x1DA00;
	s30 =	sshrl.u32 s10, $0x3  }
0xc: {  	s4 =	sor.u32 s5, s4;
	s5 =	sadd.s32 s26, s6;
	s8 =	ssub.s32 s8, s28  }
0xd: {  	s7 =	sadd.s32 s7, s6;
	s10 =	sshrl.u32 s11, $0x3;
	s4 =	sshrl.u32 s4, $0x3  }
0xe: {  	s11 =	simm.s32 $0x1;
	s7 =	sadd.s32 s7, s30;
	s9 =	sadd.s32 s4, s6  }
0xf: {  	s4 =	sadd.s32 s29, s5;
	s6 =	smax.u32 s8, $0x1;
	s8 =	simm.s32 $0x2  }
0x10: {  	v0 =	vimm.f32 $1.000000000e+00;
	s4 =	sadd.s32 $0xD400, s4;
	s5 =	sadd.s32 $0x1D400, s9;
	s9 =	sor.u32 $0x1C02, s31  }
.LBB2_1:
0x11: {  	[tilespmem:$0x4000] =	vst v0  }
0x12: {  	[tilespmem:$0x4010] =	vst v0  }
0x13: {  	[tilespmem:$0x4020] =	vst v0  }
0x14: {  	[tilespmem:$0x4030] =	vst v0  }
0x15: {  	[tilespmem:$0x4040] =	vst v0  }
0x16: {  	[tilespmem:s3], [sflag:$0x2] =	stream.linear.gather [hbm4b:s4+s3], $0x3E80, $0x38;
	[tilespmem:$0x4300] =	vst v63  }
0x17: {  	_ =	swait.ge [sflag:s8], $0x3E80  }
0x18: {  	[sflag:s8] =	ssyncset.done $0x0  }
0x19: {  	[sflag:s8] =	ssyncadd.s32 $0xFFFFC180  }
0x1a: {  	[spmem:s10@s12], [sflag:s9] =	dma.strided [hbm:s5@s13], $0x50, s11, $0x10   }
0x1b: {  	_ =	swait.ge [sflag:s8], $0x50  }
0x1c: {  	[sflag:s8] =	ssyncset.done $0x0  }
0x1d: {  	p0 =	por $0x1, $0x1;
	[sflag:s8] =	ssyncadd.s32 $0xFFFFFFB0  }
0x1e: {  	s19 =	simm.s32 @!p0 $0x1;
	[bflag:$0x0] =	sbarrier.arrive $0xFFFF  }
0x1f: {  	[spmem:s2] =	stream.indirect.scatter.add.f32 [tilespmem:s15], [sflag:$0x1], $0x1, s3, s14, $0xb8;
	[tilespmem:$0x4300] =	vst v63  }
0x20: {  	_ =	swait.ge @!p0 [sflag:s19], $0x50  }
0x21: {  	s17 =	simm.s32 $0x1;
	s18 =	simm.s32 $0x0;
	[sflag:s19] =	ssyncset.done @!p0 $0x0  }
.LBB2_2:
0x22: {  	[sflag:s19] =	ssyncadd.s32 @!p0 $0xFFFFFFB0  }
0x23: {  	s18 =	sadd.s32 $0x80, s18;
	s19 =	smov.u32 s17;
	s17 =	sadd.s32 $0x1, s17  }
0x24: {  	p1 =	sne.s32 s17, $0x7D  }
0x25: {  	[spmem:s2] =	stream.indirect.scatter.add.f32 [tilespmem:s15], [sflag:$0x1], $0x1, s18, s14, $0xb8;
	[tilespmem:$0x4300] =	vst v63  }
.Ltmp0:
0x26: {  	_ = 	snop;
	(pc) =	sbr.rel @p1 .LBB2_2-.Ltmp0, $4  }
0x27: {  	p0 =	slt.u32 s19, $0x8  }
0x28: {  	s19 =	simm.s32 @!p0 $0x1  }
0x29: {  	_ =	swait.ge @!p0 [sflag:s19], $0x50  }
0x2a: {  	[sflag:s19] =	ssyncset.done @!p0 $0x0  }
0x2b: {  	[sflag:s19] =	ssyncadd.s32 @!p0 $0xFFFFFFB0  }
0x2c: {  	_ =	swait.ge [sflag:s11], $0x50  }
0x2d: {  	[sflag:s11] =	ssyncset.done $0x0  }
0x2e: {  	[sflag:s11] =	ssyncadd.s32 $0xFFFFFFB0  }
0x2f: {  	_ =	swait.ge [sflag:s11], $0x50  }
0x30: {  	[sflag:s11] =	ssyncset.done $0x0  }
0x31: {  	[sflag:s11] =	ssyncadd.s32 $0xFFFFFFB0  }
0x32: {  	_ =	swait.ge [sflag:s11], $0x50  }
0x33: {  	[sflag:s11] =	ssyncset.done $0x0  }
0x34: {  	[sflag:s11] =	ssyncadd.s32 $0xFFFFFFB0  }
0x35: {  	_ =	swait.ge [sflag:s11], $0x50  }
0x36: {  	[sflag:s11] =	ssyncset.done $0x0  }
0x37: {  	[sflag:s11] =	ssyncadd.s32 $0xFFFFFFB0  }
0x38: {  	_ =	swait.ge [sflag:s11], $0x50  }
0x39: {  	[sflag:s11] =	ssyncset.done $0x0  }
0x3a: {  	[sflag:s11] =	ssyncadd.s32 $0xFFFFFFB0  }
0x3b: {  	_ =	swait.ge [sflag:s11], $0x50  }
0x3c: {  	[sflag:s11] =	ssyncset.done $0x0  }
0x3d: {  	[sflag:s11] =	ssyncadd.s32 $0xFFFFFFB0  }
0x3e: {  	_ =	swait.ge [sflag:s11], $0x50  }
0x3f: {  	[sflag:s11] =	ssyncset.done $0x0  }
0x40: {  	[sflag:s11] =	ssyncadd.s32 $0xFFFFFFB0  }
0x41: {  	_ =	swait.ge [sflag:s11], $0x50  }
0x42: {  	s16 =	sadd.s32 $0x1, s16;
	[sflag:s11] =	ssyncset.done $0x0  }
0x43: {  	p0 =	sne.s32 s16, s6;
	[sflag:s11] =	ssyncadd.s32 $0xFFFFFFB0  }
.Ltmp1:
0x44: {  	[bflag:$0x0] =	sbarrier.arrive $0xFFFF;
	(pc) =	sbr.rel @p0 .LBB2_1-.Ltmp1, $4  }
0x45: {  	[hbm:s7], [sflag:s9] =	dma.local [spmem:s10], $0x50  }
0x46: {  	_ =	swait.ge [sflag:s8], $0x50  }
0x47: {  	[sflag:s8] =	ssyncset.done $0x0  }
0x48: {  	[sflag:s8] =	ssyncadd.s32 $0xFFFFFFB0  }
0x49: {  	_ =	sfence.sel $0x180000  }
0x4a: {  	[bflag:$0x0] =	sbarrier.arrive $0xFFFF  }
0x4b: {  	p0 =	sne.s32 s1, $0x0;
	_ =	strace $0x90000047  }
0x4c: {  	s0 =	sadd.s32 @!p0 $0x100000, s0;
	[bflag:$0x2] =	sbarrier.arrive $0xFFFF  }
0x4d: {  	[sflag:s0] =	ssyncadd.tile.s32 @!p0 $0x1;
	_ =	shalt  }
.Lfunc_end2:
_tile_overlayer_lowered:
.L_overlay_start_2:
0x4e: {  	(tag) =	ssettag $0x2  }
0x4f: {  	s0 =	rddreg [dreg:$0x0];
	s2 =	stileid.u32  }
0x50: {  	s1 =	rddreg [dreg:$0x1];
	p0 =	sne.s32 s2, $0x0  }
0x51: {  	s3 =	rddreg [dreg:$0x2];
	[bflag:$0x3] =	sbarrier.arrive $0xFFFF;
	s2 =	simm.s32 @!p0 $0x1C02  }
0x52: {  	[timem:s3], [sflag:s2] =	dma.local @!p0 [hbm:s0], s1  }
0x53: {  	s0 =	simm.s32 @!p0 $0x2  }
0x54: {  	_ =	swait.ge @!p0 [sflag:s0], s1  }
0x55: {  	s1 =	ssub.s32 @!p0 $0x0, s1;
	[sflag:s0] =	ssyncset.done @!p0 $0x0  }
0x56: {  	[sflag:s0] =	ssyncadd.s32 @!p0 s1  }
0x57: {  	[bflag:$0x3] =	sbarrier.arrive $0xFFFF  }
0x58: {  	_ =	shalt  }

</sc_bundles>
